<compile_context>
chip_gen: v7x
topology: tpu7x:2x2x1
jax: 0.10.2.dev20260603
libtpu: 0.0.44.dev20260713+nightly
codegen_flags: <defaults>
</compile_context>

<pallas_src>
import functools

import numpy as np
import jax
import jax.numpy as jnp
from jax import lax
from jax.experimental import pallas as pl
from jax.experimental.pallas import tpu as pltpu
from jax.experimental.pallas import tpu_sc as plsc

H = 28
W = 28
PIX = H * W
B = 2048
NPTS = 128
NSEG = NPTS - 1
NW = 32
SPT = B // NW
NGRP = SPT // 16
SROW = PIX + 1
CANVAS_WORDS = SPT * SROW

_EPS = np.float32(1e-7)
_P1 = np.float32(1.0) - _EPS
L0 = float(np.float32(np.log(np.float64(_EPS))))
L1 = float(np.float32(np.log(np.float64(_P1))))
L2 = float(np.float32(np.log(np.float64(np.float32(1.0) - _P1))))

_mesh = plsc.VectorSubcoreMesh(core_axis_name="c", subcore_axis_name="s")


@functools.partial(
    pl.kernel,
    out_type=jax.ShapeDtypeStruct((NW, 16), jnp.float32),
    mesh=_mesh,
    compiler_params=pltpu.CompilerParams(needs_layout_passes=False),
    scratch_types=[
        pltpu.VMEM((NPTS, 2, SPT), jnp.float32),
        pltpu.VMEM((CANVAS_WORDS,), jnp.float32),
        pltpu.VMEM((2, 16 * PIX), jnp.float32),
        pltpu.VMEM((16,), jnp.float32),
        pltpu.SemaphoreType.DMA,
        pltpu.SemaphoreType.DMA,
    ],
)
def _sc_raster_bce(coords_hbm, bitmap_hbm, out_hbm, coords_v, canvas_v,
                   tgt_v, acc_v, sem0, sem1):
    wid = lax.axis_index("s") * 2 + lax.axis_index("c")
    sems = [sem0, sem1]

    cps = [
        pltpu.async_copy(bitmap_hbm.at[wid, c], tgt_v.at[c], sems[c])
        for c in range(2)
    ]
    pltpu.sync_copy(coords_hbm.at[wid], coords_v)

    zeros16 = jnp.zeros((16,), jnp.float32)
    ones16 = jnp.ones((16,), jnp.float32)
    iota16 = lax.iota(jnp.int32, 16)

    def zero_body(k, carry):
        for u in range(16):
            canvas_v[pl.ds(k * 256 + u * 16, 16)] = zeros16
        return carry

    lax.fori_loop(0, CANVAS_WORDS // 256, zero_body, 0)
    for r in range(CANVAS_WORDS // 256 * 256, CANVAS_WORDS, 16):
        canvas_v[pl.ds(r, 16)] = zeros16

    def seg_body(s, carry):
        def grp_body(g, carry2):
            sl = pl.ds(g * 16, 16)
            x0 = (coords_v[s, 0, sl] * 27.0).astype(jnp.int32)
            y0 = (coords_v[s, 1, sl] * 27.0).astype(jnp.int32)
            x1 = (coords_v[s + 1, 0, sl] * 27.0).astype(jnp.int32)
            y1 = (coords_v[s + 1, 1, sl] * 27.0).astype(jnp.int32)
            steep = jnp.abs(y1 - y0) > jnp.abs(x1 - x0)
            ma = jnp.where(steep, y0, x0)
            na = jnp.where(steep, x0, y0)
            mb = jnp.where(steep, y1, x1)
            nb = jnp.where(steep, x1, y1)
            sw = ma > mb
            m0 = jnp.where(sw, mb, ma)
            m1 = jnp.where(sw, ma, mb)
            n0 = jnp.where(sw, nb, na)
            n1 = jnp.where(sw, na, nb)
            d = m1 - m0
            ystep = jnp.where(n0 < n1, 1, -1)
            dq = jnp.abs(n1 - n0).astype(jnp.float32) / jnp.maximum(
                d, 1).astype(jnp.float32)
            stride = jnp.where(steep, W, 1)
            nmul = jnp.where(steep, 1, W)
            nys = nmul * ystep
            base = (g * 16 + iota16) * SROW + stride * m0 + nmul * n0

            def step_body(u, carry3):
                for v in range(4):
                    i = u * 4 + v
                    covered = i <= d
                    q = (dq * i.astype(jnp.float32)
                         + 0.001953125).astype(jnp.int32)
                    idx = base + stride * i + nys * q
                    plsc.store_scatter(canvas_v, [idx], ones16, mask=covered)
                return carry3

            lax.fori_loop(0, W // 4, step_body, 0)
            return carry2

        lax.fori_loop(0, NGRP, grp_body, 0)
        return carry

    lax.fori_loop(0, NSEG, seg_body, 0)

    a_set = jnp.full((16,), -L2, jnp.float32)
    a_unset = jnp.full((16,), -L1, jnp.float32)
    b_set = jnp.full((16,), L2 - L1, jnp.float32)
    b_unset = jnp.full((16,), L1 - L0, jnp.float32)

    gacc = zeros16
    for c in range(NGRP):
        buf = c % 2
        cps[buf].wait()

        def smp_body(j, acc, _c=c, _buf=buf):
            def pix_body(k, sacc, _u=7):
                for u in range(_u):
                    kk = k * _u + u
                    cv = canvas_v[pl.ds((_c * 16 + j) * SROW + kk * 16, 16)]
                    t = tgt_v[_buf, pl.ds(j * PIX + kk * 16, 16)]
                    m = cv > 0.5
                    sacc = sacc + jnp.where(m, a_set, a_unset) + jnp.where(
                        m, b_set, b_unset) * t
                return sacc
            sacc = lax.fori_loop(0, PIX // 16 // 7, pix_body, zeros16)
            return acc + sacc

        gacc = lax.fori_loop(0, 16, smp_body, gacc)
        if c + 2 < NGRP:
            cps[buf] = pltpu.async_copy(
                bitmap_hbm.at[wid, c + 2], tgt_v.at[buf], sems[buf])

    acc_v[...] = gacc
    pltpu.sync_copy(acc_v, out_hbm.at[wid])


def _tc_combine_body(p_ref, t_ref, part_ref, c_ref, r_ref, tot_ref):
    diff = p_ref[...] - t_ref[...]
    coord = jnp.sum(diff * diff) * np.float32(1.0 / (B * NPTS * 2))
    raster = jnp.sum(part_ref[...]) * np.float32(1.0 / (B * PIX))
    c_ref[0, 0] = coord
    r_ref[0, 0] = raster
    tot_ref[0, 0] = coord + 0.5 * raster


_tc_combine = pl.pallas_call(
    _tc_combine_body,
    out_shape=[jax.ShapeDtypeStruct((1, 1), jnp.float32)] * 3,
    out_specs=[pl.BlockSpec(memory_space=pltpu.SMEM)] * 3,
)


def kernel(pred_coords, target_coords, target_bitmap):
    coords_slab = pred_coords.reshape(NW, SPT, NPTS, 2).transpose(0, 2, 3, 1)
    bitmap_slab = target_bitmap.reshape(NW, NGRP, 16 * PIX)
    partials = _sc_raster_bce(coords_slab, bitmap_slab)
    p2 = pred_coords.reshape(B, NPTS * 2)
    t2 = target_coords.reshape(B, NPTS * 2)
    coord, raster, total = _tc_combine(p2, t2, partials)
    return (coord[0, 0], raster[0, 0], total[0, 0])

# --- scband reference (transcript-rebuilt; emitter-appended) ---
"""Pipeline reference for scband-nimble-loss-17772574671032 (READ-ONLY COPY).

The authoritative reference and input builder live on the scoring server;
editing this copy changes nothing except your own understanding.
"""

import jax, jax.numpy as jnp
import numpy as np
from jax import lax

CANVAS = (28, 28)
COORD_WEIGHT = 1.0
RASTER_WEIGHT = 0.5


def _rasterize_line(x0, y0, x1, y1, canvas):
    dx = jnp.abs(x1 - x0)
    dy = jnp.abs(y1 - y0)

    def swap_points(x0, y0, x1, y1):
        return (y0, x0, y1, x1)

    steep = dy > dx
    x0, y0, x1, y1 = lax.cond(steep, lambda args: swap_points(*args), lambda args: args, (x0, y0, x1, y1))
    swap = x0 > x1
    x0, x1 = lax.cond(swap, lambda x: (x[1], x[0]), lambda x: x, (x0, x1))
    y0, y1 = lax.cond(swap, lambda y: (y[1], y[0]), lambda y: y, (y0, y1))
    dx = x1 - x0
    dy = jnp.abs(y1 - y0)
    ystep = jnp.where(y0 < y1, 1, -1)

    def plot_point(args):
        x, y, cv = args
        plot_x = lax.cond(steep, lambda: y, lambda: x)
        plot_y = lax.cond(steep, lambda: x, lambda: y)
        valid = (plot_x >= 0) & (plot_x < cv.shape[1]) & (plot_y >= 0) & (plot_y < cv.shape[0])
        return lax.cond(valid, lambda: cv.at[plot_y, plot_x].set(1.0), lambda: cv)

    def body_fn(i, state):
        x = x0 + i
        y = y0 + (ystep * dy * i / dx).astype(jnp.int32)
        return plot_point((x, y, state))

    canvas = lax.fori_loop(0, dx.astype(jnp.int32) + 1, body_fn, canvas)
    return canvas


def rasterize_strokes(coords):
    batch_size, num_points, _ = coords.shape
    H, W = CANVAS
    coords = coords * jnp.array([W - 1, H - 1], dtype=coords.dtype)
    coords = lax.stop_gradient(coords).astype(jnp.int32)

    def rasterize_single(coords_single):
        canvas = jnp.zeros(CANVAS, dtype=jnp.float32)

        def draw_segment(i, canvas):
            x0 = coords_single[i, 0]
            y0 = coords_single[i, 1]
            x1 = coords_single[i + 1, 0]
            y1 = coords_single[i + 1, 1]
            return _rasterize_line(x0, y0, x1, y1, canvas)

        return lax.fori_loop(0, num_points - 1, draw_segment, canvas)

    return jax.vmap(rasterize_single)(coords)


def setup_inputs(seed: int = 0) -> dict:
    key = jax.random.key(seed)
    k1, k2, k3 = jax.random.split(key, 3)
    pred_coords = jax.random.uniform(k1, (2048, 128, 2), dtype=jnp.float32)
    target_coords = jax.random.uniform(k2, (2048, 128, 2), dtype=jnp.float32)
    target_bitmap = jax.random.uniform(k3, (2048, 28, 28), dtype=jnp.float32)
    return {"pred_coords": pred_coords, "target_coords": target_coords, "target_bitmap": target_bitmap}


def reference(pred_coords, target_coords, target_bitmap):
    coord_loss = jnp.mean((pred_coords - target_coords) ** 2)
    pred_raster = rasterize_strokes(pred_coords)
    epsilon = 1e-07
    pred_raster = jnp.clip(pred_raster, epsilon, 1.0 - epsilon)
    bce = -(target_bitmap * jnp.log(pred_raster) + (1 - target_bitmap) * jnp.log(1 - pred_raster))
    raster_loss = jnp.mean(bce)
    total_loss = COORD_WEIGHT * coord_loss + RASTER_WEIGHT * raster_loss
    return (coord_loss, raster_loss, total_loss)

if __name__ == "__main__":
    import jax
    _d = setup_inputs()
    print(jax.jit(kernel)(*tuple(_d.values())))

</pallas_src>

<mosaic_0001>
#map = affine_map<(d0, d1) -> (0, 0, 0, 0)>
#map1 = affine_map<(d0, d1) -> (0, 0, 0)>
#map2 = affine_map<(d0, d1) -> (0, 0)>
module attributes {stable_mosaic.version = 14 : i64} {
  func.func @_sc_raster_bce(%arg0: i32, %arg1: i32, %arg2: memref<32x128x2x64xf32, #tpu.memory_space<hbm>>, %arg3: memref<32x4x12544xf32, #tpu.memory_space<hbm>>, %arg4: memref<32x16xf32, #tpu.memory_space<hbm>>, %arg5: memref<128x2x64xf32, #tpu.memory_space<vmem>>, %arg6: memref<50240xf32, #tpu.memory_space<vmem>>, %arg7: memref<2x12544xf32, #tpu.memory_space<vmem>>, %arg8: memref<16xf32, #tpu.memory_space<vmem>>, %arg9: memref<!tpu.dma_semaphore, #tpu.memory_space<semaphore_mem>>, %arg10: memref<!tpu.dma_semaphore, #tpu.memory_space<semaphore_mem>>) attributes {dimension_semantics = [#tpu.dimension_semantics<core_parallel>, #tpu.dimension_semantics<subcore_parallel>], iteration_bounds = array<i64: 2, 16>, scalar_prefetch = 0 : i64, scratch_operands = 6 : i64, tpu.core_type = #tpu.core_type<sc_vector_subcore>, window_params = [{transform_indices = #map}, {transform_indices = #map1}, {transform_indices = #map2}]} {
    %mul3A = arith.constant 2 : i32
    %mul3A_0 = arith.muli %arg1, %mul3A : i32
    %add3A = arith.addi %mul3A_0, %arg0 : i32
    %dma_start3A = arith.constant 0 : i32
    %dma_start3A_1 = arith.constant 0 : i32
    %dma_start3A_2 = arith.constant 0 : i32
    %dma_start3A_3 = tpu.memref_slice %arg7[%dma_start3A_1, %dma_start3A_2] : memref<2x12544xf32, #tpu.memory_space<vmem>> -> memref<1x12544xf32, #tpu.memory_space<vmem>>
    %dma_start3A_4 = tpu.memref_squeeze %dma_start3A_3 : memref<1x12544xf32, #tpu.memory_space<vmem>> -> memref<12544xf32, #tpu.memory_space<vmem>>
    %dma_start3A_5 = arith.constant 0 : i32
    %dma_start3A_6 = tpu.memref_slice %arg3[%add3A, %dma_start3A, %dma_start3A_5] : memref<32x4x12544xf32, #tpu.memory_space<hbm>> -> memref<1x1x12544xf32, #tpu.memory_space<hbm>>
    %dma_start3A_7 = tpu.memref_squeeze %dma_start3A_6 : memref<1x1x12544xf32, #tpu.memory_space<hbm>> -> memref<12544xf32, #tpu.memory_space<hbm>>
    %dma_start3A_8 = arith.constant 0 : i32
    %dma_start3A_9 = tpu.memref_slice %arg7[%dma_start3A_1, %dma_start3A_8] : memref<2x12544xf32, #tpu.memory_space<vmem>> -> memref<1x12544xf32, #tpu.memory_space<vmem>>
    %dma_start3A_10 = tpu.memref_squeeze %dma_start3A_9 : memref<1x12544xf32, #tpu.memory_space<vmem>> -> memref<12544xf32, #tpu.memory_space<vmem>>
    %dma_start3A_11 = arith.constant 0 : i32
    %dma_start3A_12 = tpu.memref_slice %arg3[%add3A, %dma_start3A, %dma_start3A_11] : memref<32x4x12544xf32, #tpu.memory_space<hbm>> -> memref<1x1x12544xf32, #tpu.memory_space<hbm>>
    %dma_start3A_13 = tpu.memref_squeeze %dma_start3A_12 : memref<1x1x12544xf32, #tpu.memory_space<hbm>> -> memref<12544xf32, #tpu.memory_space<hbm>>
    tpu.enqueue_dma source(%dma_start3A_13 : memref<12544xf32, #tpu.memory_space<hbm>>) target(%dma_start3A_10 : memref<12544xf32, #tpu.memory_space<vmem>>) target_semaphore(%arg9 : memref<!tpu.dma_semaphore, #tpu.memory_space<semaphore_mem>>)
    %dma_start3A_14 = arith.constant 1 : i32
    %dma_start3A_15 = arith.constant 1 : i32
    %dma_start3A_16 = arith.constant 0 : i32
    %dma_start3A_17 = tpu.memref_slice %arg7[%dma_start3A_15, %dma_start3A_16] : memref<2x12544xf32, #tpu.memory_space<vmem>> -> memref<1x12544xf32, #tpu.memory_space<vmem>>
    %dma_start3A_18 = tpu.memref_squeeze %dma_start3A_17 : memref<1x12544xf32, #tpu.memory_space<vmem>> -> memref<12544xf32, #tpu.memory_space<vmem>>
    %dma_start3A_19 = arith.constant 0 : i32
    %dma_start3A_20 = tpu.memref_slice %arg3[%add3A, %dma_start3A_14, %dma_start3A_19] : memref<32x4x12544xf32, #tpu.memory_space<hbm>> -> memref<1x1x12544xf32, #tpu.memory_space<hbm>>
    %dma_start3A_21 = tpu.memref_squeeze %dma_start3A_20 : memref<1x1x12544xf32, #tpu.memory_space<hbm>> -> memref<12544xf32, #tpu.memory_space<hbm>>
    %dma_start3A_22 = arith.constant 0 : i32
    %dma_start3A_23 = tpu.memref_slice %arg7[%dma_start3A_15, %dma_start3A_22] : memref<2x12544xf32, #tpu.memory_space<vmem>> -> memref<1x12544xf32, #tpu.memory_space<vmem>>
    %dma_start3A_24 = tpu.memref_squeeze %dma_start3A_23 : memref<1x12544xf32, #tpu.memory_space<vmem>> -> memref<12544xf32, #tpu.memory_space<vmem>>
    %dma_start3A_25 = arith.constant 0 : i32
    %dma_start3A_26 = tpu.memref_slice %arg3[%add3A, %dma_start3A_14, %dma_start3A_25] : memref<32x4x12544xf32, #tpu.memory_space<hbm>> -> memref<1x1x12544xf32, #tpu.memory_space<hbm>>
    %dma_start3A_27 = tpu.memref_squeeze %dma_start3A_26 : memref<1x1x12544xf32, #tpu.memory_space<hbm>> -> memref<12544xf32, #tpu.memory_space<hbm>>
    tpu.enqueue_dma source(%dma_start3A_27 : memref<12544xf32, #tpu.memory_space<hbm>>) target(%dma_start3A_24 : memref<12544xf32, #tpu.memory_space<vmem>>) target_semaphore(%arg10 : memref<!tpu.dma_semaphore, #tpu.memory_space<semaphore_mem>>)
    "tpu.region"() ({
      %run_scoped3A = tpu.sem_alloc : memref<!tpu.dma_semaphore, #tpu.memory_space<semaphore_mem>>
      %dma_start3A_166 = arith.constant 0 : i32
      %dma_start3A_167 = arith.constant 0 : i32
      %dma_start3A_168 = arith.constant 0 : i32
      %dma_start3A_169 = tpu.memref_slice %arg2[%add3A, %dma_start3A_166, %dma_start3A_167, %dma_start3A_168] : memref<32x128x2x64xf32, #tpu.memory_space<hbm>> -> memref<1x128x2x64xf32, #tpu.memory_space<hbm>>
      %dma_start3A_170 = tpu.memref_squeeze %dma_start3A_169 : memref<1x128x2x64xf32, #tpu.memory_space<hbm>> -> memref<128x2x64xf32, #tpu.memory_space<hbm>>
      %dma_start3A_171 = arith.constant 0 : i32
      %dma_start3A_172 = arith.constant 0 : i32
      %dma_start3A_173 = arith.constant 0 : i32
      %dma_start3A_174 = tpu.memref_slice %arg2[%add3A, %dma_start3A_171, %dma_start3A_172, %dma_start3A_173] : memref<32x128x2x64xf32, #tpu.memory_space<hbm>> -> memref<1x128x2x64xf32, #tpu.memory_space<hbm>>
      %dma_start3A_175 = tpu.memref_squeeze %dma_start3A_174 : memref<1x128x2x64xf32, #tpu.memory_space<hbm>> -> memref<128x2x64xf32, #tpu.memory_space<hbm>>
      tpu.enqueue_dma source(%dma_start3A_175 : memref<128x2x64xf32, #tpu.memory_space<hbm>>) target(%arg5 : memref<128x2x64xf32, #tpu.memory_space<vmem>>) target_semaphore(%run_scoped3A : memref<!tpu.dma_semaphore, #tpu.memory_space<semaphore_mem>>)
      %dma_wait3A_176 = arith.constant 0 : i32
      %dma_wait3A_177 = arith.constant 0 : i32
      %dma_wait3A_178 = arith.constant 0 : i32
      %dma_wait3A_179 = tpu.memref_slice %arg2[%add3A, %dma_wait3A_176, %dma_wait3A_177, %dma_wait3A_178] : memref<32x128x2x64xf32, #tpu.memory_space<hbm>> -> memref<1x128x2x64xf32, #tpu.memory_space<hbm>>
      %dma_wait3A_180 = tpu.memref_squeeze %dma_wait3A_179 : memref<1x128x2x64xf32, #tpu.memory_space<hbm>> -> memref<128x2x64xf32, #tpu.memory_space<hbm>>
      %dma_wait3A_181 = arith.constant 0 : i32
      %dma_wait3A_182 = arith.constant 0 : i32
      %dma_wait3A_183 = arith.constant 0 : i32
      %dma_wait3A_184 = tpu.memref_slice %arg2[%add3A, %dma_wait3A_181, %dma_wait3A_182, %dma_wait3A_183] : memref<32x128x2x64xf32, #tpu.memory_space<hbm>> -> memref<1x128x2x64xf32, #tpu.memory_space<hbm>>
      %dma_wait3A_185 = tpu.memref_squeeze %dma_wait3A_184 : memref<1x128x2x64xf32, #tpu.memory_space<hbm>> -> memref<128x2x64xf32, #tpu.memory_space<hbm>>
      tpu.wait_dma2 semaphore(%run_scoped3A : memref<!tpu.dma_semaphore, #tpu.memory_space<semaphore_mem>>) src(%dma_wait3A_185 : memref<128x2x64xf32, #tpu.memory_space<hbm>>) dst(%arg5 : memref<128x2x64xf32, #tpu.memory_space<vmem>>)
      tpu.yield
    }) : () -> ()
    %broadcast_in_dim3A = arith.constant 0.000000e+00 : f32
    %broadcast_in_dim3A_28 = vector.broadcast %broadcast_in_dim3A : f32 to vector<16xf32>
    %broadcast_in_dim3A_29 = arith.constant 1.000000e+00 : f32
    %broadcast_in_dim3A_30 = vector.broadcast %broadcast_in_dim3A_29 : f32 to vector<16xf32>
    %iota3A = tpu.iota {dimensions = array<i32: 0>} : vector<16xi32>
    %scan3A = arith.constant 0 : i32
    %scan3A_31 = arith.constant 0 : i32
    %scan3A_32 = arith.constant 196 : i32
    %scan3A_33 = arith.addi %scan3A_31, %scan3A_32 : i32
    %scan3A_34 = arith.constant 1 : i32
    scf.for %scan3A_166 = %scan3A_31 to %scan3A_33 step %scan3A_34  : i32 {
      %mul3A_167 = arith.constant 256 : i32
      %mul3A_168 = arith.muli %scan3A_166, %mul3A_167 : i32
      %add3A_169 = arith.constant 0 : i32
      %add3A_170 = arith.addi %mul3A_168, %add3A_169 : i32
      %swap3A_171 = arith.index_cast %add3A_170 : i32 to index
      %swap3A_172 = tpu.vector_load %arg6[%swap3A_171] {strides = array<i32>} : memref<50240xf32, #tpu.memory_space<vmem>>, vector<16xf32>,
      tpu.vector_store %arg6[%swap3A_171], %broadcast_in_dim3A_28 {strides = array<i32>} : memref<50240xf32, #tpu.memory_space<vmem>>, vector<16xf32>,
      %mul3A_173 = arith.constant 256 : i32
      %mul3A_174 = arith.muli %scan3A_166, %mul3A_173 : i32
      %add3A_175 = arith.constant 16 : i32
      %add3A_176 = arith.addi %mul3A_174, %add3A_175 : i32
      %swap3A_177 = arith.index_cast %add3A_176 : i32 to index
      %swap3A_178 = tpu.vector_load %arg6[%swap3A_177] {strides = array<i32>} : memref<50240xf32, #tpu.memory_space<vmem>>, vector<16xf32>,
      tpu.vector_store %arg6[%swap3A_177], %broadcast_in_dim3A_28 {strides = array<i32>} : memref<50240xf32, #tpu.memory_space<vmem>>, vector<16xf32>,
      %mul3A_179 = arith.constant 256 : i32
      %mul3A_180 = arith.muli %scan3A_166, %mul3A_179 : i32
      %add3A_181 = arith.constant 32 : i32
      %add3A_182 = arith.addi %mul3A_180, %add3A_181 : i32
      %swap3A_183 = arith.index_cast %add3A_182 : i32 to index
      %swap3A_184 = tpu.vector_load %arg6[%swap3A_183] {strides = array<i32>} : memref<50240xf32, #tpu.memory_space<vmem>>, vector<16xf32>,
      tpu.vector_store %arg6[%swap3A_183], %broadcast_in_dim3A_28 {strides = array<i32>} : memref<50240xf32, #tpu.memory_space<vmem>>, vector<16xf32>,
      %mul3A_185 = arith.constant 256 : i32
      %mul3A_186 = arith.muli %scan3A_166, %mul3A_185 : i32
      %add3A_187 = arith.constant 48 : i32
      %add3A_188 = arith.addi %mul3A_186, %add3A_187 : i32
      %swap3A_189 = arith.index_cast %add3A_188 : i32 to index
      %swap3A_190 = tpu.vector_load %arg6[%swap3A_189] {strides = array<i32>} : memref<50240xf32, #tpu.memory_space<vmem>>, vector<16xf32>,
      tpu.vector_store %arg6[%swap3A_189], %broadcast_in_dim3A_28 {strides = array<i32>} : memref<50240xf32, #tpu.memory_space<vmem>>, vector<16xf32>,
      %mul3A_191 = arith.constant 256 : i32
      %mul3A_192 = arith.muli %scan3A_166, %mul3A_191 : i32
      %add3A_193 = arith.constant 64 : i32
      %add3A_194 = arith.addi %mul3A_192, %add3A_193 : i32
      %swap3A_195 = arith.index_cast %add3A_194 : i32 to index
      %swap3A_196 = tpu.vector_load %arg6[%swap3A_195] {strides = array<i32>} : memref<50240xf32, #tpu.memory_space<vmem>>, vector<16xf32>,
      tpu.vector_store %arg6[%swap3A_195], %broadcast_in_dim3A_28 {strides = array<i32>} : memref<50240xf32, #tpu.memory_space<vmem>>, vector<16xf32>,
      %mul3A_197 = arith.constant 256 : i32
      %mul3A_198 = arith.muli %scan3A_166, %mul3A_197 : i32
      %add3A_199 = arith.constant 80 : i32
      %add3A_200 = arith.addi %mul3A_198, %add3A_199 : i32
      %swap3A_201 = arith.index_cast %add3A_200 : i32 to index
      %swap3A_202 = tpu.vector_load %arg6[%swap3A_201] {strides = array<i32>} : memref<50240xf32, #tpu.memory_space<vmem>>, vector<16xf32>,
      tpu.vector_store %arg6[%swap3A_201], %broadcast_in_dim3A_28 {strides = array<i32>} : memref<50240xf32, #tpu.memory_space<vmem>>, vector<16xf32>,
      %mul3A_203 = arith.constant 256 : i32
      %mul3A_204 = arith.muli %scan3A_166, %mul3A_203 : i32
      %add3A_205 = arith.constant 96 : i32
      %add3A_206 = arith.addi %mul3A_204, %add3A_205 : i32
      %swap3A_207 = arith.index_cast %add3A_206 : i32 to index
      %swap3A_208 = tpu.vector_load %arg6[%swap3A_207] {strides = array<i32>} : memref<50240xf32, #tpu.memory_space<vmem>>, vector<16xf32>,
      tpu.vector_store %arg6[%swap3A_207], %broadcast_in_dim3A_28 {strides = array<i32>} : memref<50240xf32, #tpu.memory_space<vmem>>, vector<16xf32>,
      %mul3A_209 = arith.constant 256 : i32
      %mul3A_210 = arith.muli %scan3A_166, %mul3A_209 : i32
      %add3A_211 = arith.constant 112 : i32
      %add3A_212 = arith.addi %mul3A_210, %add3A_211 : i32
      %swap3A_213 = arith.index_cast %add3A_212 : i32 to index
      %swap3A_214 = tpu.vector_load %arg6[%swap3A_213] {strides = array<i32>} : memref<50240xf32, #tpu.memory_space<vmem>>, vector<16xf32>,
      tpu.vector_store %arg6[%swap3A_213], %broadcast_in_dim3A_28 {strides = array<i32>} : memref<50240xf32, #tpu.memory_space<vmem>>, vector<16xf32>,
      %mul3A_215 = arith.constant 256 : i32
      %mul3A_216 = arith.muli %scan3A_166, %mul3A_215 : i32
      %add3A_217 = arith.constant 128 : i32
      %add3A_218 = arith.addi %mul3A_216, %add3A_217 : i32
      %swap3A_219 = arith.index_cast %add3A_218 : i32 to index
      %swap3A_220 = tpu.vector_load %arg6[%swap3A_219] {strides = array<i32>} : memref<50240xf32, #tpu.memory_space<vmem>>, vector<16xf32>,
      tpu.vector_store %arg6[%swap3A_219], %broadcast_in_dim3A_28 {strides = array<i32>} : memref<50240xf32, #tpu.memory_space<vmem>>, vector<16xf32>,
      %mul3A_221 = arith.constant 256 : i32
      %mul3A_222 = arith.muli %scan3A_166, %mul3A_221 : i32
      %add3A_223 = arith.constant 144 : i32
      %add3A_224 = arith.addi %mul3A_222, %add3A_223 : i32
      %swap3A_225 = arith.index_cast %add3A_224 : i32 to index
      %swap3A_226 = tpu.vector_load %arg6[%swap3A_225] {strides = array<i32>} : memref<50240xf32, #tpu.memory_space<vmem>>, vector<16xf32>,
      tpu.vector_store %arg6[%swap3A_225], %broadcast_in_dim3A_28 {strides = array<i32>} : memref<50240xf32, #tpu.memory_space<vmem>>, vector<16xf32>,
      %mul3A_227 = arith.constant 256 : i32
      %mul3A_228 = arith.muli %scan3A_166, %mul3A_227 : i32
      %add3A_229 = arith.constant 160 : i32
      %add3A_230 = arith.addi %mul3A_228, %add3A_229 : i32
      %swap3A_231 = arith.index_cast %add3A_230 : i32 to index
      %swap3A_232 = tpu.vector_load %arg6[%swap3A_231] {strides = array<i32>} : memref<50240xf32, #tpu.memory_space<vmem>>, vector<16xf32>,
      tpu.vector_store %arg6[%swap3A_231], %broadcast_in_dim3A_28 {strides = array<i32>} : memref<50240xf32, #tpu.memory_space<vmem>>, vector<16xf32>,
      %mul3A_233 = arith.constant 256 : i32
      %mul3A_234 = arith.muli %scan3A_166, %mul3A_233 : i32
      %add3A_235 = arith.constant 176 : i32
      %add3A_236 = arith.addi %mul3A_234, %add3A_235 : i32
      %swap3A_237 = arith.index_cast %add3A_236 : i32 to index
      %swap3A_238 = tpu.vector_load %arg6[%swap3A_237] {strides = array<i32>} : memref<50240xf32, #tpu.memory_space<vmem>>, vector<16xf32>,
      tpu.vector_store %arg6[%swap3A_237], %broadcast_in_dim3A_28 {strides = array<i32>} : memref<50240xf32, #tpu.memory_space<vmem>>, vector<16xf32>,
      %mul3A_239 = arith.constant 256 : i32
      %mul3A_240 = arith.muli %scan3A_166, %mul3A_239 : i32
      %add3A_241 = arith.constant 192 : i32
      %add3A_242 = arith.addi %mul3A_240, %add3A_241 : i32
      %swap3A_243 = arith.index_cast %add3A_242 : i32 to index
      %swap3A_244 = tpu.vector_load %arg6[%swap3A_243] {strides = array<i32>} : memref<50240xf32, #tpu.memory_space<vmem>>, vector<16xf32>,
      tpu.vector_store %arg6[%swap3A_243], %broadcast_in_dim3A_28 {strides = array<i32>} : memref<50240xf32, #tpu.memory_space<vmem>>, vector<16xf32>,
      %mul3A_245 = arith.constant 256 : i32
      %mul3A_246 = arith.muli %scan3A_166, %mul3A_245 : i32
      %add3A_247 = arith.constant 208 : i32
      %add3A_248 = arith.addi %mul3A_246, %add3A_247 : i32
      %swap3A_249 = arith.index_cast %add3A_248 : i32 to index
      %swap3A_250 = tpu.vector_load %arg6[%swap3A_249] {strides = array<i32>} : memref<50240xf32, #tpu.memory_space<vmem>>, vector<16xf32>,
      tpu.vector_store %arg6[%swap3A_249], %broadcast_in_dim3A_28 {strides = array<i32>} : memref<50240xf32, #tpu.memory_space<vmem>>, vector<16xf32>,
      %mul3A_251 = arith.constant 256 : i32
      %mul3A_252 = arith.muli %scan3A_166, %mul3A_251 : i32
      %add3A_253 = arith.constant 224 : i32
      %add3A_254 = arith.addi %mul3A_252, %add3A_253 : i32
      %swap3A_255 = arith.index_cast %add3A_254 : i32 to index
      %swap3A_256 = tpu.vector_load %arg6[%swap3A_255] {strides = array<i32>} : memref<50240xf32, #tpu.memory_space<vmem>>, vector<16xf32>,
      tpu.vector_store %arg6[%swap3A_255], %broadcast_in_dim3A_28 {strides = array<i32>} : memref<50240xf32, #tpu.memory_space<vmem>>, vector<16xf32>,
      %mul3A_257 = arith.constant 256 : i32
      %mul3A_258 = arith.muli %scan3A_166, %mul3A_257 : i32
      %add3A_259 = arith.constant 240 : i32
      %add3A_260 = arith.addi %mul3A_258, %add3A_259 : i32
      %swap3A_261 = arith.index_cast %add3A_260 : i32 to index
      %swap3A_262 = tpu.vector_load %arg6[%swap3A_261] {strides = array<i32>} : memref<50240xf32, #tpu.memory_space<vmem>>, vector<16xf32>,
      tpu.vector_store %arg6[%swap3A_261], %broadcast_in_dim3A_28 {strides = array<i32>} : memref<50240xf32, #tpu.memory_space<vmem>>, vector<16xf32>,
    }
    %scan3A_35 = arith.constant 196 : i32
    %swap3A = arith.constant 50176 : index
    %swap3A_36 = tpu.vector_load %arg6[%swap3A] {strides = array<i32>} : memref<50240xf32, #tpu.memory_space<vmem>>, vector<16xf32>,
    tpu.vector_store %arg6[%swap3A], %broadcast_in_dim3A_28 {strides = array<i32>} : memref<50240xf32, #tpu.memory_space<vmem>>, vector<16xf32>,
    %swap3A_37 = arith.constant 50192 : index
    %swap3A_38 = tpu.vector_load %arg6[%swap3A_37] {strides = array<i32>} : memref<50240xf32, #tpu.memory_space<vmem>>, vector<16xf32>,
    tpu.vector_store %arg6[%swap3A_37], %broadcast_in_dim3A_28 {strides = array<i32>} : memref<50240xf32, #tpu.memory_space<vmem>>, vector<16xf32>,
    %swap3A_39 = arith.constant 50208 : index
    %swap3A_40 = tpu.vector_load %arg6[%swap3A_39] {strides = array<i32>} : memref<50240xf32, #tpu.memory_space<vmem>>, vector<16xf32>,
    tpu.vector_store %arg6[%swap3A_39], %broadcast_in_dim3A_28 {strides = array<i32>} : memref<50240xf32, #tpu.memory_space<vmem>>, vector<16xf32>,
    %swap3A_41 = arith.constant 50224 : index
    %swap3A_42 = tpu.vector_load %arg6[%swap3A_41] {strides = array<i32>} : memref<50240xf32, #tpu.memory_space<vmem>>, vector<16xf32>,
    tpu.vector_store %arg6[%swap3A_41], %broadcast_in_dim3A_28 {strides = array<i32>} : memref<50240xf32, #tpu.memory_space<vmem>>, vector<16xf32>,
    %scan3A_43 = arith.constant 0 : i32
    %scan3A_44 = arith.constant 0 : i32
    %scan3A_45 = arith.constant 127 : i32
    %scan3A_46 = arith.addi %scan3A_44, %scan3A_45 : i32
    %scan3A_47 = arith.constant 1 : i32
    scf.for %scan3A_166 = %scan3A_44 to %scan3A_46 step %scan3A_47  : i32 {
      %scan3A_167 = arith.constant 0 : i32
      %scan3A_168 = arith.constant 0 : i32
      %scan3A_169 = arith.constant 4 : i32
      %scan3A_170 = arith.addi %scan3A_168, %scan3A_169 : i32
      %scan3A_171 = arith.constant 1 : i32
      scf.for %scan3A_173 = %scan3A_168 to %scan3A_170 step %scan3A_171  : i32 {
        %mul3A_174 = arith.constant 16 : i32
        %mul3A_175 = arith.muli %scan3A_173, %mul3A_174 : i32
        %get3A = arith.constant 0 : i32
        %get3A_176 = arith.index_cast %scan3A_166 : i32 to index
        %get3A_177 = arith.index_cast %get3A : i32 to index
        %get3A_178 = arith.index_cast %mul3A_175 : i32 to index
        %get3A_179 = tpu.vector_load %arg5[%get3A_176, %get3A_177, %get3A_178] {strides = array<i32>} : memref<128x2x64xf32, #tpu.memory_space<vmem>>, vector<16xf32>,
        %mul3A_180 = arith.constant 2.700000e+01 : f32
        %mul3A_181 = vector.broadcast %mul3A_180 : f32 to vector<16xf32>
        %mul3A_182 = arith.mulf %get3A_179, %mul3A_181 : vector<16xf32>
        %convert_element_type3A = arith.fptosi %mul3A_182 : vector<16xf32> to vector<16xi32>
        %get3A_183 = arith.constant 1 : i32
        %get3A_184 = arith.index_cast %scan3A_166 : i32 to index
        %get3A_185 = arith.index_cast %get3A_183 : i32 to index
        %get3A_186 = arith.index_cast %mul3A_175 : i32 to index
        %get3A_187 = tpu.vector_load %arg5[%get3A_184, %get3A_185, %get3A_186] {strides = array<i32>} : memref<128x2x64xf32, #tpu.memory_space<vmem>>, vector<16xf32>,
        %mul3A_188 = arith.constant 2.700000e+01 : f32
        %mul3A_189 = vector.broadcast %mul3A_188 : f32 to vector<16xf32>
        %mul3A_190 = arith.mulf %get3A_187, %mul3A_189 : vector<16xf32>
        %convert_element_type3A_191 = arith.fptosi %mul3A_190 : vector<16xf32> to vector<16xi32>
        %add3A_192 = arith.constant 1 : i32
        %add3A_193 = arith.addi %scan3A_166, %add3A_192 : i32
        %get3A_194 = arith.constant 0 : i32
        %get3A_195 = arith.index_cast %add3A_193 : i32 to index
        %get3A_196 = arith.index_cast %get3A_194 : i32 to index
        %get3A_197 = arith.index_cast %mul3A_175 : i32 to index
        %get3A_198 = tpu.vector_load %arg5[%get3A_195, %get3A_196, %get3A_197] {strides = array<i32>} : memref<128x2x64xf32, #tpu.memory_space<vmem>>, vector<16xf32>,
        %mul3A_199 = arith.constant 2.700000e+01 : f32
        %mul3A_200 = vector.broadcast %mul3A_199 : f32 to vector<16xf32>
        %mul3A_201 = arith.mulf %get3A_198, %mul3A_200 : vector<16xf32>
        %convert_element_type3A_202 = arith.fptosi %mul3A_201 : vector<16xf32> to vector<16xi32>
        %add3A_203 = arith.constant 1 : i32
        %add3A_204 = arith.addi %scan3A_166, %add3A_203 : i32
        %get3A_205 = arith.constant 1 : i32
        %get3A_206 = arith.index_cast %add3A_204 : i32 to index
        %get3A_207 = arith.index_cast %get3A_205 : i32 to index
        %get3A_208 = arith.index_cast %mul3A_175 : i32 to index
        %get3A_209 = tpu.vector_load %arg5[%get3A_206, %get3A_207, %get3A_208] {strides = array<i32>} : memref<128x2x64xf32, #tpu.memory_space<vmem>>, vector<16xf32>,
        %mul3A_210 = arith.constant 2.700000e+01 : f32
        %mul3A_211 = vector.broadcast %mul3A_210 : f32 to vector<16xf32>
        %mul3A_212 = arith.mulf %get3A_209, %mul3A_211 : vector<16xf32>
        %convert_element_type3A_213 = arith.fptosi %mul3A_212 : vector<16xf32> to vector<16xi32>
        %sub3A = arith.subi %convert_element_type3A_213, %convert_element_type3A_191 : vector<16xi32>
        %abs3A = math.absi %sub3A : vector<16xi32>
        %sub3A_214 = arith.subi %convert_element_type3A_202, %convert_element_type3A : vector<16xi32>
        %abs3A_215 = math.absi %sub3A_214 : vector<16xi32>
        %gt3A = arith.cmpi sgt, %abs3A, %abs3A_215 : vector<16xi32>
        %select_n3A = arith.select %gt3A, %convert_element_type3A_191, %convert_element_type3A : vector<16xi1>, vector<16xi32>
        %select_n3A_216 = arith.select %gt3A, %convert_element_type3A, %convert_element_type3A_191 : vector<16xi1>, vector<16xi32>
        %select_n3A_217 = arith.select %gt3A, %convert_element_type3A_213, %convert_element_type3A_202 : vector<16xi1>, vector<16xi32>
        %select_n3A_218 = arith.select %gt3A, %convert_element_type3A_202, %convert_element_type3A_213 : vector<16xi1>, vector<16xi32>
        %gt3A_219 = arith.cmpi sgt, %select_n3A, %select_n3A_217 : vector<16xi32>
        %select_n3A_220 = arith.select %gt3A_219, %select_n3A_217, %select_n3A : vector<16xi1>, vector<16xi32>
        %select_n3A_221 = arith.select %gt3A_219, %select_n3A, %select_n3A_217 : vector<16xi1>, vector<16xi32>
        %select_n3A_222 = arith.select %gt3A_219, %select_n3A_218, %select_n3A_216 : vector<16xi1>, vector<16xi32>
        %select_n3A_223 = arith.select %gt3A_219, %select_n3A_216, %select_n3A_218 : vector<16xi1>, vector<16xi32>
        %sub3A_224 = arith.subi %select_n3A_221, %select_n3A_220 : vector<16xi32>
        %lt3A = arith.cmpi slt, %select_n3A_222, %select_n3A_223 : vector<16xi32>
        %jit3A = arith.constant 1 : i32
        %jit3A_225 = arith.constant -1 : i32
        %broadcast_in_dim3A_226 = vector.broadcast %jit3A : i32 to vector<16xi32>
        %broadcast_in_dim3A_227 = vector.broadcast %jit3A_225 : i32 to vector<16xi32>
        %select_n3A_228 = arith.select %lt3A, %broadcast_in_dim3A_226, %broadcast_in_dim3A_227 : vector<16xi1>, vector<16xi32>
        %sub3A_229 = arith.subi %select_n3A_223, %select_n3A_222 : vector<16xi32>
        %abs3A_230 = math.absi %sub3A_229 : vector<16xi32>
        %convert_element_type3A_231 = arith.sitofp %abs3A_230 : vector<16xi32> to vector<16xf32>
        %max3A = arith.constant 1 : i32
        %max3A_232 = vector.broadcast %max3A : i32 to vector<16xi32>
        %max3A_233 = arith.maxsi %sub3A_224, %max3A_232 : vector<16xi32>
        %convert_element_type3A_234 = arith.sitofp %max3A_233 : vector<16xi32> to vector<16xf32>
        %div3A = arith.divf %convert_element_type3A_231, %convert_element_type3A_234 : vector<16xf32>
        %jit3A_235 = arith.constant 28 : i32
        %jit3A_236 = arith.constant 1 : i32
        %broadcast_in_dim3A_237 = vector.broadcast %jit3A_235 : i32 to vector<16xi32>
        %broadcast_in_dim3A_238 = vector.broadcast %jit3A_236 : i32 to vector<16xi32>
        %select_n3A_239 = arith.select %gt3A, %broadcast_in_dim3A_237, %broadcast_in_dim3A_238 : vector<16xi1>, vector<16xi32>
        %jit3A_240 = arith.constant 1 : i32
        %jit3A_241 = arith.constant 28 : i32
        %broadcast_in_dim3A_242 = vector.broadcast %jit3A_240 : i32 to vector<16xi32>
        %broadcast_in_dim3A_243 = vector.broadcast %jit3A_241 : i32 to vector<16xi32>
        %select_n3A_244 = arith.select %gt3A, %broadcast_in_dim3A_242, %broadcast_in_dim3A_243 : vector<16xi1>, vector<16xi32>
        %mul3A_245 = arith.muli %select_n3A_244, %select_n3A_228 : vector<16xi32>
        %mul3A_246 = arith.constant 16 : i32
        %mul3A_247 = arith.muli %scan3A_173, %mul3A_246 : i32
        %add3A_248 = vector.broadcast %mul3A_247 : i32 to vector<16xi32>
        %add3A_249 = arith.addi %add3A_248, %iota3A : vector<16xi32>
        %mul3A_250 = arith.constant 785 : i32
        %mul3A_251 = vector.broadcast %mul3A_250 : i32 to vector<16xi32>
        %mul3A_252 = arith.muli %add3A_249, %mul3A_251 : vector<16xi32>
        %mul3A_253 = arith.muli %select_n3A_239, %select_n3A_220 : vector<16xi32>
        %add3A_254 = arith.addi %mul3A_252, %mul3A_253 : vector<16xi32>
        %mul3A_255 = arith.muli %select_n3A_244, %select_n3A_222 : vector<16xi32>
        %add3A_256 = arith.addi %add3A_254, %mul3A_255 : vector<16xi32>
        %scan3A_257 = arith.constant 0 : i32
        %scan3A_258 = arith.constant 0 : i32
        %scan3A_259 = arith.constant 7 : i32
        %scan3A_260 = arith.addi %scan3A_258, %scan3A_259 : i32
        %scan3A_261 = arith.constant 1 : i32
        scf.for %scan3A_263 = %scan3A_258 to %scan3A_260 step %scan3A_261  : i32 {
          %mul3A_264 = arith.constant 4 : i32
          %mul3A_265 = arith.muli %scan3A_263, %mul3A_264 : i32
          %add3A_266 = arith.constant 0 : i32
          %add3A_267 = arith.addi %mul3A_265, %add3A_266 : i32
          %le3A = vector.broadcast %add3A_267 : i32 to vector<16xi32>
          %le3A_268 = arith.cmpi sle, %le3A, %sub3A_224 : vector<16xi32>
          %convert_element_type3A_269 = arith.sitofp %add3A_267 : i32 to f32
          %mul3A_270 = vector.broadcast %convert_element_type3A_269 : f32 to vector<16xf32>
          %mul3A_271 = arith.mulf %div3A, %mul3A_270 : vector<16xf32>
          %add3A_272 = arith.constant 0.001953125 : f32
          %add3A_273 = vector.broadcast %add3A_272 : f32 to vector<16xf32>
          %add3A_274 = arith.addf %mul3A_271, %add3A_273 : vector<16xf32>
          %convert_element_type3A_275 = arith.fptosi %add3A_274 : vector<16xf32> to vector<16xi32>
          %mul3A_276 = vector.broadcast %add3A_267 : i32 to vector<16xi32>
          %mul3A_277 = arith.muli %select_n3A_239, %mul3A_276 : vector<16xi32>
          %add3A_278 = arith.addi %add3A_256, %mul3A_277 : vector<16xi32>
          %mul3A_279 = arith.muli %mul3A_245, %convert_element_type3A_275 : vector<16xi32>
          %add3A_280 = arith.addi %add3A_278, %mul3A_279 : vector<16xi32>
          tpu.vector_store_idx %arg6[%add3A_280], %broadcast_in_dim3A_30 masked %le3A_268 : memref<50240xf32, #tpu.memory_space<vmem>>[vector<16xi32>], vector<16xf32>, vector<16xi1>
          %mul3A_281 = arith.constant 4 : i32
          %mul3A_282 = arith.muli %scan3A_263, %mul3A_281 : i32
          %add3A_283 = arith.constant 1 : i32
          %add3A_284 = arith.addi %mul3A_282, %add3A_283 : i32
          %le3A_285 = vector.broadcast %add3A_284 : i32 to vector<16xi32>
          %le3A_286 = arith.cmpi sle, %le3A_285, %sub3A_224 : vector<16xi32>
          %convert_element_type3A_287 = arith.sitofp %add3A_284 : i32 to f32
          %mul3A_288 = vector.broadcast %convert_element_type3A_287 : f32 to vector<16xf32>
          %mul3A_289 = arith.mulf %div3A, %mul3A_288 : vector<16xf32>
          %add3A_290 = arith.constant 0.001953125 : f32
          %add3A_291 = vector.broadcast %add3A_290 : f32 to vector<16xf32>
          %add3A_292 = arith.addf %mul3A_289, %add3A_291 : vector<16xf32>
          %convert_element_type3A_293 = arith.fptosi %add3A_292 : vector<16xf32> to vector<16xi32>
          %mul3A_294 = vector.broadcast %add3A_284 : i32 to vector<16xi32>
          %mul3A_295 = arith.muli %select_n3A_239, %mul3A_294 : vector<16xi32>
          %add3A_296 = arith.addi %add3A_256, %mul3A_295 : vector<16xi32>
          %mul3A_297 = arith.muli %mul3A_245, %convert_element_type3A_293 : vector<16xi32>
          %add3A_298 = arith.addi %add3A_296, %mul3A_297 : vector<16xi32>
          tpu.vector_store_idx %arg6[%add3A_298], %broadcast_in_dim3A_30 masked %le3A_286 : memref<50240xf32, #tpu.memory_space<vmem>>[vector<16xi32>], vector<16xf32>, vector<16xi1>
          %mul3A_299 = arith.constant 4 : i32
          %mul3A_300 = arith.muli %scan3A_263, %mul3A_299 : i32
          %add3A_301 = arith.constant 2 : i32
          %add3A_302 = arith.addi %mul3A_300, %add3A_301 : i32
          %le3A_303 = vector.broadcast %add3A_302 : i32 to vector<16xi32>
          %le3A_304 = arith.cmpi sle, %le3A_303, %sub3A_224 : vector<16xi32>
          %convert_element_type3A_305 = arith.sitofp %add3A_302 : i32 to f32
          %mul3A_306 = vector.broadcast %convert_element_type3A_305 : f32 to vector<16xf32>
          %mul3A_307 = arith.mulf %div3A, %mul3A_306 : vector<16xf32>
          %add3A_308 = arith.constant 0.001953125 : f32
          %add3A_309 = vector.broadcast %add3A_308 : f32 to vector<16xf32>
          %add3A_310 = arith.addf %mul3A_307, %add3A_309 : vector<16xf32>
          %convert_element_type3A_311 = arith.fptosi %add3A_310 : vector<16xf32> to vector<16xi32>
          %mul3A_312 = vector.broadcast %add3A_302 : i32 to vector<16xi32>
          %mul3A_313 = arith.muli %select_n3A_239, %mul3A_312 : vector<16xi32>
          %add3A_314 = arith.addi %add3A_256, %mul3A_313 : vector<16xi32>
          %mul3A_315 = arith.muli %mul3A_245, %convert_element_type3A_311 : vector<16xi32>
          %add3A_316 = arith.addi %add3A_314, %mul3A_315 : vector<16xi32>
          tpu.vector_store_idx %arg6[%add3A_316], %broadcast_in_dim3A_30 masked %le3A_304 : memref<50240xf32, #tpu.memory_space<vmem>>[vector<16xi32>], vector<16xf32>, vector<16xi1>
          %mul3A_317 = arith.constant 4 : i32
          %mul3A_318 = arith.muli %scan3A_263, %mul3A_317 : i32
          %add3A_319 = arith.constant 3 : i32
          %add3A_320 = arith.addi %mul3A_318, %add3A_319 : i32
          %le3A_321 = vector.broadcast %add3A_320 : i32 to vector<16xi32>
          %le3A_322 = arith.cmpi sle, %le3A_321, %sub3A_224 : vector<16xi32>
          %convert_element_type3A_323 = arith.sitofp %add3A_320 : i32 to f32
          %mul3A_324 = vector.broadcast %convert_element_type3A_323 : f32 to vector<16xf32>
          %mul3A_325 = arith.mulf %div3A, %mul3A_324 : vector<16xf32>
          %add3A_326 = arith.constant 0.001953125 : f32
          %add3A_327 = vector.broadcast %add3A_326 : f32 to vector<16xf32>
          %add3A_328 = arith.addf %mul3A_325, %add3A_327 : vector<16xf32>
          %convert_element_type3A_329 = arith.fptosi %add3A_328 : vector<16xf32> to vector<16xi32>
          %mul3A_330 = vector.broadcast %add3A_320 : i32 to vector<16xi32>
          %mul3A_331 = arith.muli %select_n3A_239, %mul3A_330 : vector<16xi32>
          %add3A_332 = arith.addi %add3A_256, %mul3A_331 : vector<16xi32>
          %mul3A_333 = arith.muli %mul3A_245, %convert_element_type3A_329 : vector<16xi32>
          %add3A_334 = arith.addi %add3A_332, %mul3A_333 : vector<16xi32>
          tpu.vector_store_idx %arg6[%add3A_334], %broadcast_in_dim3A_30 masked %le3A_322 : memref<50240xf32, #tpu.memory_space<vmem>>[vector<16xi32>], vector<16xf32>, vector<16xi1>
        }
        %scan3A_262 = arith.constant 7 : i32
      }
      %scan3A_172 = arith.constant 4 : i32
    }
    %scan3A_48 = arith.constant 127 : i32
    %broadcast_in_dim3A_49 = arith.constant 15.9423847 : f32
    %broadcast_in_dim3A_50 = vector.broadcast %broadcast_in_dim3A_49 : f32 to vector<16xf32>
    %broadcast_in_dim3A_51 = arith.constant 1.19209304E-7 : f32
    %broadcast_in_dim3A_52 = vector.broadcast %broadcast_in_dim3A_51 : f32 to vector<16xf32>
    %broadcast_in_dim3A_53 = arith.constant -15.9423847 : f32
    %broadcast_in_dim3A_54 = vector.broadcast %broadcast_in_dim3A_53 : f32 to vector<16xf32>
    %broadcast_in_dim3A_55 = arith.constant 16.1180954 : f32
    %broadcast_in_dim3A_56 = vector.broadcast %broadcast_in_dim3A_55 : f32 to vector<16xf32>
    %dma_wait3A = arith.constant 0 : i32
    %dma_wait3A_57 = arith.constant 0 : i32
    %dma_wait3A_58 = arith.constant 0 : i32
    %dma_wait3A_59 = tpu.memref_slice %arg7[%dma_wait3A_57, %dma_wait3A_58] : memref<2x12544xf32, #tpu.memory_space<vmem>> -> memref<1x12544xf32, #tpu.memory_space<vmem>>
    %dma_wait3A_60 = tpu.memref_squeeze %dma_wait3A_59 : memref<1x12544xf32, #tpu.memory_space<vmem>> -> memref<12544xf32, #tpu.memory_space<vmem>>
    %dma_wait3A_61 = arith.constant 0 : i32
    %dma_wait3A_62 = tpu.memref_slice %arg3[%add3A, %dma_wait3A, %dma_wait3A_61] : memref<32x4x12544xf32, #tpu.memory_space<hbm>> -> memref<1x1x12544xf32, #tpu.memory_space<hbm>>
    %dma_wait3A_63 = tpu.memref_squeeze %dma_wait3A_62 : memref<1x1x12544xf32, #tpu.memory_space<hbm>> -> memref<12544xf32, #tpu.memory_space<hbm>>
    %dma_wait3A_64 = arith.constant 0 : i32
    %dma_wait3A_65 = tpu.memref_slice %arg7[%dma_wait3A_57, %dma_wait3A_64] : memref<2x12544xf32, #tpu.memory_space<vmem>> -> memref<1x12544xf32, #tpu.memory_space<vmem>>
    %dma_wait3A_66 = tpu.memref_squeeze %dma_wait3A_65 : memref<1x12544xf32, #tpu.memory_space<vmem>> -> memref<12544xf32, #tpu.memory_space<vmem>>
    %dma_wait3A_67 = arith.constant 0 : i32
    %dma_wait3A_68 = tpu.memref_slice %arg3[%add3A, %dma_wait3A, %dma_wait3A_67] : memref<32x4x12544xf32, #tpu.memory_space<hbm>> -> memref<1x1x12544xf32, #tpu.memory_space<hbm>>
    %dma_wait3A_69 = tpu.memref_squeeze %dma_wait3A_68 : memref<1x1x12544xf32, #tpu.memory_space<hbm>> -> memref<12544xf32, #tpu.memory_space<hbm>>
    tpu.wait_dma2 semaphore(%arg9 : memref<!tpu.dma_semaphore, #tpu.memory_space<semaphore_mem>>) src(%dma_wait3A_69 : memref<12544xf32, #tpu.memory_space<hbm>>) dst(%dma_wait3A_66 : memref<12544xf32, #tpu.memory_space<vmem>>)
    %scan3A_70 = arith.constant 0 : i32
    %scan3A_71 = arith.constant 16 : i32
    %scan3A_72 = arith.addi %scan3A_70, %scan3A_71 : i32
    %scan3A_73 = arith.constant 1 : i32
    %scan3A_74 = scf.for %scan3A_166 = %scan3A_70 to %scan3A_72 step %scan3A_73 iter_args(%scan3A_167 = %broadcast_in_dim3A_28) -> (vector<16xf32>)  : i32 {
      %scan3A_168 = arith.constant 0 : i32
      %scan3A_169 = arith.constant 7 : i32
      %scan3A_170 = arith.addi %scan3A_168, %scan3A_169 : i32
      %scan3A_171 = arith.constant 1 : i32
      %scan3A_172 = scf.for %scan3A_175 = %scan3A_168 to %scan3A_170 step %scan3A_171 iter_args(%scan3A_176 = %broadcast_in_dim3A_28) -> (vector<16xf32>)  : i32 {
        %mul3A_177 = arith.constant 7 : i32
        %mul3A_178 = arith.muli %scan3A_175, %mul3A_177 : i32
        %add3A_179 = arith.constant 0 : i32
        %add3A_180 = arith.addi %mul3A_178, %add3A_179 : i32
        %add3A_181 = arith.constant 0 : i32
        %add3A_182 = arith.addi %add3A_181, %scan3A_166 : i32
        %mul3A_183 = arith.constant 785 : i32
        %mul3A_184 = arith.muli %add3A_182, %mul3A_183 : i32
        %mul3A_185 = arith.constant 16 : i32
        %mul3A_186 = arith.muli %add3A_180, %mul3A_185 : i32
        %add3A_187 = arith.addi %mul3A_184, %mul3A_186 : i32
        %get3A = arith.index_cast %add3A_187 : i32 to index
        %get3A_188 = tpu.vector_load %arg6[%get3A] {strides = array<i32>} : memref<50240xf32, #tpu.memory_space<vmem>>, vector<16xf32>,
        %mul3A_189 = arith.constant 784 : i32
        %mul3A_190 = arith.muli %scan3A_166, %mul3A_189 : i32
        %mul3A_191 = arith.constant 16 : i32
        %mul3A_192 = arith.muli %add3A_180, %mul3A_191 : i32
        %add3A_193 = arith.addi %mul3A_190, %mul3A_192 : i32
        %get3A_194 = arith.constant 0 : i32
        %get3A_195 = arith.index_cast %get3A_194 : i32 to index
        %get3A_196 = arith.index_cast %add3A_193 : i32 to index
        %get3A_197 = tpu.vector_load %arg7[%get3A_195, %get3A_196] {strides = array<i32>} : memref<2x12544xf32, #tpu.memory_space<vmem>>, vector<16xf32>,
        %gt3A = arith.constant 5.000000e-01 : f32
        %gt3A_198 = vector.broadcast %gt3A : f32 to vector<16xf32>
        %gt3A_199 = arith.cmpf ogt, %get3A_188, %gt3A_198 : vector<16xf32>
        %select_n3A = arith.select %gt3A_199, %broadcast_in_dim3A_50, %broadcast_in_dim3A_52 : vector<16xi1>, vector<16xf32>
        %add3A_200 = arith.addf %scan3A_176, %select_n3A : vector<16xf32>
        %select_n3A_201 = arith.select %gt3A_199, %broadcast_in_dim3A_54, %broadcast_in_dim3A_56 : vector<16xi1>, vector<16xf32>
        %mul3A_202 = arith.mulf %select_n3A_201, %get3A_197 : vector<16xf32>
        %add3A_203 = arith.addf %add3A_200, %mul3A_202 : vector<16xf32>
        %mul3A_204 = arith.constant 7 : i32
        %mul3A_205 = arith.muli %scan3A_175, %mul3A_204 : i32
        %add3A_206 = arith.constant 1 : i32
        %add3A_207 = arith.addi %mul3A_205, %add3A_206 : i32
        %add3A_208 = arith.constant 0 : i32
        %add3A_209 = arith.addi %add3A_208, %scan3A_166 : i32
        %mul3A_210 = arith.constant 785 : i32
        %mul3A_211 = arith.muli %add3A_209, %mul3A_210 : i32
        %mul3A_212 = arith.constant 16 : i32
        %mul3A_213 = arith.muli %add3A_207, %mul3A_212 : i32
        %add3A_214 = arith.addi %mul3A_211, %mul3A_213 : i32
        %get3A_215 = arith.index_cast %add3A_214 : i32 to index
        %get3A_216 = tpu.vector_load %arg6[%get3A_215] {strides = array<i32>} : memref<50240xf32, #tpu.memory_space<vmem>>, vector<16xf32>,
        %mul3A_217 = arith.constant 784 : i32
        %mul3A_218 = arith.muli %scan3A_166, %mul3A_217 : i32
        %mul3A_219 = arith.constant 16 : i32
        %mul3A_220 = arith.muli %add3A_207, %mul3A_219 : i32
        %add3A_221 = arith.addi %mul3A_218, %mul3A_220 : i32
        %get3A_222 = arith.constant 0 : i32
        %get3A_223 = arith.index_cast %get3A_222 : i32 to index
        %get3A_224 = arith.index_cast %add3A_221 : i32 to index
        %get3A_225 = tpu.vector_load %arg7[%get3A_223, %get3A_224] {strides = array<i32>} : memref<2x12544xf32, #tpu.memory_space<vmem>>, vector<16xf32>,
        %gt3A_226 = arith.constant 5.000000e-01 : f32
        %gt3A_227 = vector.broadcast %gt3A_226 : f32 to vector<16xf32>
        %gt3A_228 = arith.cmpf ogt, %get3A_216, %gt3A_227 : vector<16xf32>
        %select_n3A_229 = arith.select %gt3A_228, %broadcast_in_dim3A_50, %broadcast_in_dim3A_52 : vector<16xi1>, vector<16xf32>
        %add3A_230 = arith.addf %add3A_203, %select_n3A_229 : vector<16xf32>
        %select_n3A_231 = arith.select %gt3A_228, %broadcast_in_dim3A_54, %broadcast_in_dim3A_56 : vector<16xi1>, vector<16xf32>
        %mul3A_232 = arith.mulf %select_n3A_231, %get3A_225 : vector<16xf32>
        %add3A_233 = arith.addf %add3A_230, %mul3A_232 : vector<16xf32>
        %mul3A_234 = arith.constant 7 : i32
        %mul3A_235 = arith.muli %scan3A_175, %mul3A_234 : i32
        %add3A_236 = arith.constant 2 : i32
        %add3A_237 = arith.addi %mul3A_235, %add3A_236 : i32
        %add3A_238 = arith.constant 0 : i32
        %add3A_239 = arith.addi %add3A_238, %scan3A_166 : i32
        %mul3A_240 = arith.constant 785 : i32
        %mul3A_241 = arith.muli %add3A_239, %mul3A_240 : i32
        %mul3A_242 = arith.constant 16 : i32
        %mul3A_243 = arith.muli %add3A_237, %mul3A_242 : i32
        %add3A_244 = arith.addi %mul3A_241, %mul3A_243 : i32
        %get3A_245 = arith.index_cast %add3A_244 : i32 to index
        %get3A_246 = tpu.vector_load %arg6[%get3A_245] {strides = array<i32>} : memref<50240xf32, #tpu.memory_space<vmem>>, vector<16xf32>,
        %mul3A_247 = arith.constant 784 : i32
        %mul3A_248 = arith.muli %scan3A_166, %mul3A_247 : i32
        %mul3A_249 = arith.constant 16 : i32
        %mul3A_250 = arith.muli %add3A_237, %mul3A_249 : i32
        %add3A_251 = arith.addi %mul3A_248, %mul3A_250 : i32
        %get3A_252 = arith.constant 0 : i32
        %get3A_253 = arith.index_cast %get3A_252 : i32 to index
        %get3A_254 = arith.index_cast %add3A_251 : i32 to index
        %get3A_255 = tpu.vector_load %arg7[%get3A_253, %get3A_254] {strides = array<i32>} : memref<2x12544xf32, #tpu.memory_space<vmem>>, vector<16xf32>,
        %gt3A_256 = arith.constant 5.000000e-01 : f32
        %gt3A_257 = vector.broadcast %gt3A_256 : f32 to vector<16xf32>
        %gt3A_258 = arith.cmpf ogt, %get3A_246, %gt3A_257 : vector<16xf32>
        %select_n3A_259 = arith.select %gt3A_258, %broadcast_in_dim3A_50, %broadcast_in_dim3A_52 : vector<16xi1>, vector<16xf32>
        %add3A_260 = arith.addf %add3A_233, %select_n3A_259 : vector<16xf32>
        %select_n3A_261 = arith.select %gt3A_258, %broadcast_in_dim3A_54, %broadcast_in_dim3A_56 : vector<16xi1>, vector<16xf32>
        %mul3A_262 = arith.mulf %select_n3A_261, %get3A_255 : vector<16xf32>
        %add3A_263 = arith.addf %add3A_260, %mul3A_262 : vector<16xf32>
        %mul3A_264 = arith.constant 7 : i32
        %mul3A_265 = arith.muli %scan3A_175, %mul3A_264 : i32
        %add3A_266 = arith.constant 3 : i32
        %add3A_267 = arith.addi %mul3A_265, %add3A_266 : i32
        %add3A_268 = arith.constant 0 : i32
        %add3A_269 = arith.addi %add3A_268, %scan3A_166 : i32
        %mul3A_270 = arith.constant 785 : i32
        %mul3A_271 = arith.muli %add3A_269, %mul3A_270 : i32
        %mul3A_272 = arith.constant 16 : i32
        %mul3A_273 = arith.muli %add3A_267, %mul3A_272 : i32
        %add3A_274 = arith.addi %mul3A_271, %mul3A_273 : i32
        %get3A_275 = arith.index_cast %add3A_274 : i32 to index
        %get3A_276 = tpu.vector_load %arg6[%get3A_275] {strides = array<i32>} : memref<50240xf32, #tpu.memory_space<vmem>>, vector<16xf32>,
        %mul3A_277 = arith.constant 784 : i32
        %mul3A_278 = arith.muli %scan3A_166, %mul3A_277 : i32
        %mul3A_279 = arith.constant 16 : i32
        %mul3A_280 = arith.muli %add3A_267, %mul3A_279 : i32
        %add3A_281 = arith.addi %mul3A_278, %mul3A_280 : i32
        %get3A_282 = arith.constant 0 : i32
        %get3A_283 = arith.index_cast %get3A_282 : i32 to index
        %get3A_284 = arith.index_cast %add3A_281 : i32 to index
        %get3A_285 = tpu.vector_load %arg7[%get3A_283, %get3A_284] {strides = array<i32>} : memref<2x12544xf32, #tpu.memory_space<vmem>>, vector<16xf32>,
        %gt3A_286 = arith.constant 5.000000e-01 : f32
        %gt3A_287 = vector.broadcast %gt3A_286 : f32 to vector<16xf32>
        %gt3A_288 = arith.cmpf ogt, %get3A_276, %gt3A_287 : vector<16xf32>
        %select_n3A_289 = arith.select %gt3A_288, %broadcast_in_dim3A_50, %broadcast_in_dim3A_52 : vector<16xi1>, vector<16xf32>
        %add3A_290 = arith.addf %add3A_263, %select_n3A_289 : vector<16xf32>
        %select_n3A_291 = arith.select %gt3A_288, %broadcast_in_dim3A_54, %broadcast_in_dim3A_56 : vector<16xi1>, vector<16xf32>
        %mul3A_292 = arith.mulf %select_n3A_291, %get3A_285 : vector<16xf32>
        %add3A_293 = arith.addf %add3A_290, %mul3A_292 : vector<16xf32>
        %mul3A_294 = arith.constant 7 : i32
        %mul3A_295 = arith.muli %scan3A_175, %mul3A_294 : i32
        %add3A_296 = arith.constant 4 : i32
        %add3A_297 = arith.addi %mul3A_295, %add3A_296 : i32
        %add3A_298 = arith.constant 0 : i32
        %add3A_299 = arith.addi %add3A_298, %scan3A_166 : i32
        %mul3A_300 = arith.constant 785 : i32
        %mul3A_301 = arith.muli %add3A_299, %mul3A_300 : i32
        %mul3A_302 = arith.constant 16 : i32
        %mul3A_303 = arith.muli %add3A_297, %mul3A_302 : i32
        %add3A_304 = arith.addi %mul3A_301, %mul3A_303 : i32
        %get3A_305 = arith.index_cast %add3A_304 : i32 to index
        %get3A_306 = tpu.vector_load %arg6[%get3A_305] {strides = array<i32>} : memref<50240xf32, #tpu.memory_space<vmem>>, vector<16xf32>,
        %mul3A_307 = arith.constant 784 : i32
        %mul3A_308 = arith.muli %scan3A_166, %mul3A_307 : i32
        %mul3A_309 = arith.constant 16 : i32
        %mul3A_310 = arith.muli %add3A_297, %mul3A_309 : i32
        %add3A_311 = arith.addi %mul3A_308, %mul3A_310 : i32
        %get3A_312 = arith.constant 0 : i32
        %get3A_313 = arith.index_cast %get3A_312 : i32 to index
        %get3A_314 = arith.index_cast %add3A_311 : i32 to index
        %get3A_315 = tpu.vector_load %arg7[%get3A_313, %get3A_314] {strides = array<i32>} : memref<2x12544xf32, #tpu.memory_space<vmem>>, vector<16xf32>,
        %gt3A_316 = arith.constant 5.000000e-01 : f32
        %gt3A_317 = vector.broadcast %gt3A_316 : f32 to vector<16xf32>
        %gt3A_318 = arith.cmpf ogt, %get3A_306, %gt3A_317 : vector<16xf32>
        %select_n3A_319 = arith.select %gt3A_318, %broadcast_in_dim3A_50, %broadcast_in_dim3A_52 : vector<16xi1>, vector<16xf32>
        %add3A_320 = arith.addf %add3A_293, %select_n3A_319 : vector<16xf32>
        %select_n3A_321 = arith.select %gt3A_318, %broadcast_in_dim3A_54, %broadcast_in_dim3A_56 : vector<16xi1>, vector<16xf32>
        %mul3A_322 = arith.mulf %select_n3A_321, %get3A_315 : vector<16xf32>
        %add3A_323 = arith.addf %add3A_320, %mul3A_322 : vector<16xf32>
        %mul3A_324 = arith.constant 7 : i32
        %mul3A_325 = arith.muli %scan3A_175, %mul3A_324 : i32
        %add3A_326 = arith.constant 5 : i32
        %add3A_327 = arith.addi %mul3A_325, %add3A_326 : i32
        %add3A_328 = arith.constant 0 : i32
        %add3A_329 = arith.addi %add3A_328, %scan3A_166 : i32
        %mul3A_330 = arith.constant 785 : i32
        %mul3A_331 = arith.muli %add3A_329, %mul3A_330 : i32
        %mul3A_332 = arith.constant 16 : i32
        %mul3A_333 = arith.muli %add3A_327, %mul3A_332 : i32
        %add3A_334 = arith.addi %mul3A_331, %mul3A_333 : i32
        %get3A_335 = arith.index_cast %add3A_334 : i32 to index
        %get3A_336 = tpu.vector_load %arg6[%get3A_335] {strides = array<i32>} : memref<50240xf32, #tpu.memory_space<vmem>>, vector<16xf32>,
        %mul3A_337 = arith.constant 784 : i32
        %mul3A_338 = arith.muli %scan3A_166, %mul3A_337 : i32
        %mul3A_339 = arith.constant 16 : i32
        %mul3A_340 = arith.muli %add3A_327, %mul3A_339 : i32
        %add3A_341 = arith.addi %mul3A_338, %mul3A_340 : i32
        %get3A_342 = arith.constant 0 : i32
        %get3A_343 = arith.index_cast %get3A_342 : i32 to index
        %get3A_344 = arith.index_cast %add3A_341 : i32 to index
        %get3A_345 = tpu.vector_load %arg7[%get3A_343, %get3A_344] {strides = array<i32>} : memref<2x12544xf32, #tpu.memory_space<vmem>>, vector<16xf32>,
        %gt3A_346 = arith.constant 5.000000e-01 : f32
        %gt3A_347 = vector.broadcast %gt3A_346 : f32 to vector<16xf32>
        %gt3A_348 = arith.cmpf ogt, %get3A_336, %gt3A_347 : vector<16xf32>
        %select_n3A_349 = arith.select %gt3A_348, %broadcast_in_dim3A_50, %broadcast_in_dim3A_52 : vector<16xi1>, vector<16xf32>
        %add3A_350 = arith.addf %add3A_323, %select_n3A_349 : vector<16xf32>
        %select_n3A_351 = arith.select %gt3A_348, %broadcast_in_dim3A_54, %broadcast_in_dim3A_56 : vector<16xi1>, vector<16xf32>
        %mul3A_352 = arith.mulf %select_n3A_351, %get3A_345 : vector<16xf32>
        %add3A_353 = arith.addf %add3A_350, %mul3A_352 : vector<16xf32>
        %mul3A_354 = arith.constant 7 : i32
        %mul3A_355 = arith.muli %scan3A_175, %mul3A_354 : i32
        %add3A_356 = arith.constant 6 : i32
        %add3A_357 = arith.addi %mul3A_355, %add3A_356 : i32
        %add3A_358 = arith.constant 0 : i32
        %add3A_359 = arith.addi %add3A_358, %scan3A_166 : i32
        %mul3A_360 = arith.constant 785 : i32
        %mul3A_361 = arith.muli %add3A_359, %mul3A_360 : i32
        %mul3A_362 = arith.constant 16 : i32
        %mul3A_363 = arith.muli %add3A_357, %mul3A_362 : i32
        %add3A_364 = arith.addi %mul3A_361, %mul3A_363 : i32
        %get3A_365 = arith.index_cast %add3A_364 : i32 to index
        %get3A_366 = tpu.vector_load %arg6[%get3A_365] {strides = array<i32>} : memref<50240xf32, #tpu.memory_space<vmem>>, vector<16xf32>,
        %mul3A_367 = arith.constant 784 : i32
        %mul3A_368 = arith.muli %scan3A_166, %mul3A_367 : i32
        %mul3A_369 = arith.constant 16 : i32
        %mul3A_370 = arith.muli %add3A_357, %mul3A_369 : i32
        %add3A_371 = arith.addi %mul3A_368, %mul3A_370 : i32
        %get3A_372 = arith.constant 0 : i32
        %get3A_373 = arith.index_cast %get3A_372 : i32 to index
        %get3A_374 = arith.index_cast %add3A_371 : i32 to index
        %get3A_375 = tpu.vector_load %arg7[%get3A_373, %get3A_374] {strides = array<i32>} : memref<2x12544xf32, #tpu.memory_space<vmem>>, vector<16xf32>,
        %gt3A_376 = arith.constant 5.000000e-01 : f32
        %gt3A_377 = vector.broadcast %gt3A_376 : f32 to vector<16xf32>
        %gt3A_378 = arith.cmpf ogt, %get3A_366, %gt3A_377 : vector<16xf32>
        %select_n3A_379 = arith.select %gt3A_378, %broadcast_in_dim3A_50, %broadcast_in_dim3A_52 : vector<16xi1>, vector<16xf32>
        %add3A_380 = arith.addf %add3A_353, %select_n3A_379 : vector<16xf32>
        %select_n3A_381 = arith.select %gt3A_378, %broadcast_in_dim3A_54, %broadcast_in_dim3A_56 : vector<16xi1>, vector<16xf32>
        %mul3A_382 = arith.mulf %select_n3A_381, %get3A_375 : vector<16xf32>
        %add3A_383 = arith.addf %add3A_380, %mul3A_382 : vector<16xf32>
        scf.yield %add3A_383 : vector<16xf32>
      }
      %scan3A_173 = arith.constant 7 : i32
      %add3A_174 = arith.addf %scan3A_167, %scan3A_172 : vector<16xf32>
      scf.yield %add3A_174 : vector<16xf32>
    }
    %scan3A_75 = arith.constant 16 : i32
    %dma_start3A_76 = arith.constant 2 : i32
    %dma_start3A_77 = arith.constant 0 : i32
    %dma_start3A_78 = arith.constant 0 : i32
    %dma_start3A_79 = tpu.memref_slice %arg7[%dma_start3A_77, %dma_start3A_78] : memref<2x12544xf32, #tpu.memory_space<vmem>> -> memref<1x12544xf32, #tpu.memory_space<vmem>>
    %dma_start3A_80 = tpu.memref_squeeze %dma_start3A_79 : memref<1x12544xf32, #tpu.memory_space<vmem>> -> memref<12544xf32, #tpu.memory_space<vmem>>
    %dma_start3A_81 = arith.constant 0 : i32
    %dma_start3A_82 = tpu.memref_slice %arg3[%add3A, %dma_start3A_76, %dma_start3A_81] : memref<32x4x12544xf32, #tpu.memory_space<hbm>> -> memref<1x1x12544xf32, #tpu.memory_space<hbm>>
    %dma_start3A_83 = tpu.memref_squeeze %dma_start3A_82 : memref<1x1x12544xf32, #tpu.memory_space<hbm>> -> memref<12544xf32, #tpu.memory_space<hbm>>
    %dma_start3A_84 = arith.constant 0 : i32
    %dma_start3A_85 = tpu.memref_slice %arg7[%dma_start3A_77, %dma_start3A_84] : memref<2x12544xf32, #tpu.memory_space<vmem>> -> memref<1x12544xf32, #tpu.memory_space<vmem>>
    %dma_start3A_86 = tpu.memref_squeeze %dma_start3A_85 : memref<1x12544xf32, #tpu.memory_space<vmem>> -> memref<12544xf32, #tpu.memory_space<vmem>>
    %dma_start3A_87 = arith.constant 0 : i32
    %dma_start3A_88 = tpu.memref_slice %arg3[%add3A, %dma_start3A_76, %dma_start3A_87] : memref<32x4x12544xf32, #tpu.memory_space<hbm>> -> memref<1x1x12544xf32, #tpu.memory_space<hbm>>
    %dma_start3A_89 = tpu.memref_squeeze %dma_start3A_88 : memref<1x1x12544xf32, #tpu.memory_space<hbm>> -> memref<12544xf32, #tpu.memory_space<hbm>>
    tpu.enqueue_dma source(%dma_start3A_89 : memref<12544xf32, #tpu.memory_space<hbm>>) target(%dma_start3A_86 : memref<12544xf32, #tpu.memory_space<vmem>>) target_semaphore(%arg9 : memref<!tpu.dma_semaphore, #tpu.memory_space<semaphore_mem>>)
    %dma_wait3A_90 = arith.constant 1 : i32
    %dma_wait3A_91 = arith.constant 1 : i32
    %dma_wait3A_92 = arith.constant 0 : i32
    %dma_wait3A_93 = tpu.memref_slice %arg7[%dma_wait3A_91, %dma_wait3A_92] : memref<2x12544xf32, #tpu.memory_space<vmem>> -> memref<1x12544xf32, #tpu.memory_space<vmem>>
    %dma_wait3A_94 = tpu.memref_squeeze %dma_wait3A_93 : memref<1x12544xf32, #tpu.memory_space<vmem>> -> memref<12544xf32, #tpu.memory_space<vmem>>
    %dma_wait3A_95 = arith.constant 0 : i32
    %dma_wait3A_96 = tpu.memref_slice %arg3[%add3A, %dma_wait3A_90, %dma_wait3A_95] : memref<32x4x12544xf32, #tpu.memory_space<hbm>> -> memref<1x1x12544xf32, #tpu.memory_space<hbm>>
    %dma_wait3A_97 = tpu.memref_squeeze %dma_wait3A_96 : memref<1x1x12544xf32, #tpu.memory_space<hbm>> -> memref<12544xf32, #tpu.memory_space<hbm>>
    %dma_wait3A_98 = arith.constant 0 : i32
    %dma_wait3A_99 = tpu.memref_slice %arg7[%dma_wait3A_91, %dma_wait3A_98] : memref<2x12544xf32, #tpu.memory_space<vmem>> -> memref<1x12544xf32, #tpu.memory_space<vmem>>
    %dma_wait3A_100 = tpu.memref_squeeze %dma_wait3A_99 : memref<1x12544xf32, #tpu.memory_space<vmem>> -> memref<12544xf32, #tpu.memory_space<vmem>>
    %dma_wait3A_101 = arith.constant 0 : i32
    %dma_wait3A_102 = tpu.memref_slice %arg3[%add3A, %dma_wait3A_90, %dma_wait3A_101] : memref<32x4x12544xf32, #tpu.memory_space<hbm>> -> memref<1x1x12544xf32, #tpu.memory_space<hbm>>
    %dma_wait3A_103 = tpu.memref_squeeze %dma_wait3A_102 : memref<1x1x12544xf32, #tpu.memory_space<hbm>> -> memref<12544xf32, #tpu.memory_space<hbm>>
    tpu.wait_dma2 semaphore(%arg10 : memref<!tpu.dma_semaphore, #tpu.memory_space<semaphore_mem>>) src(%dma_wait3A_103 : memref<12544xf32, #tpu.memory_space<hbm>>) dst(%dma_wait3A_100 : memref<12544xf32, #tpu.memory_space<vmem>>)
    %scan3A_104 = arith.constant 0 : i32
    %scan3A_105 = arith.constant 16 : i32
    %scan3A_106 = arith.addi %scan3A_104, %scan3A_105 : i32
    %scan3A_107 = arith.constant 1 : i32
    %scan3A_108 = scf.for %scan3A_166 = %scan3A_104 to %scan3A_106 step %scan3A_107 iter_args(%scan3A_167 = %scan3A_74) -> (vector<16xf32>)  : i32 {
      %scan3A_168 = arith.constant 0 : i32
      %scan3A_169 = arith.constant 7 : i32
      %scan3A_170 = arith.addi %scan3A_168, %scan3A_169 : i32
      %scan3A_171 = arith.constant 1 : i32
      %scan3A_172 = scf.for %scan3A_175 = %scan3A_168 to %scan3A_170 step %scan3A_171 iter_args(%scan3A_176 = %broadcast_in_dim3A_28) -> (vector<16xf32>)  : i32 {
        %mul3A_177 = arith.constant 7 : i32
        %mul3A_178 = arith.muli %scan3A_175, %mul3A_177 : i32
        %add3A_179 = arith.constant 0 : i32
        %add3A_180 = arith.addi %mul3A_178, %add3A_179 : i32
        %add3A_181 = arith.constant 16 : i32
        %add3A_182 = arith.addi %add3A_181, %scan3A_166 : i32
        %mul3A_183 = arith.constant 785 : i32
        %mul3A_184 = arith.muli %add3A_182, %mul3A_183 : i32
        %mul3A_185 = arith.constant 16 : i32
        %mul3A_186 = arith.muli %add3A_180, %mul3A_185 : i32
        %add3A_187 = arith.addi %mul3A_184, %mul3A_186 : i32
        %get3A = arith.index_cast %add3A_187 : i32 to index
        %get3A_188 = tpu.vector_load %arg6[%get3A] {strides = array<i32>} : memref<50240xf32, #tpu.memory_space<vmem>>, vector<16xf32>,
        %mul3A_189 = arith.constant 784 : i32
        %mul3A_190 = arith.muli %scan3A_166, %mul3A_189 : i32
        %mul3A_191 = arith.constant 16 : i32
        %mul3A_192 = arith.muli %add3A_180, %mul3A_191 : i32
        %add3A_193 = arith.addi %mul3A_190, %mul3A_192 : i32
        %get3A_194 = arith.constant 1 : i32
        %get3A_195 = arith.index_cast %get3A_194 : i32 to index
        %get3A_196 = arith.index_cast %add3A_193 : i32 to index
        %get3A_197 = tpu.vector_load %arg7[%get3A_195, %get3A_196] {strides = array<i32>} : memref<2x12544xf32, #tpu.memory_space<vmem>>, vector<16xf32>,
        %gt3A = arith.constant 5.000000e-01 : f32
        %gt3A_198 = vector.broadcast %gt3A : f32 to vector<16xf32>
        %gt3A_199 = arith.cmpf ogt, %get3A_188, %gt3A_198 : vector<16xf32>
        %select_n3A = arith.select %gt3A_199, %broadcast_in_dim3A_50, %broadcast_in_dim3A_52 : vector<16xi1>, vector<16xf32>
        %add3A_200 = arith.addf %scan3A_176, %select_n3A : vector<16xf32>
        %select_n3A_201 = arith.select %gt3A_199, %broadcast_in_dim3A_54, %broadcast_in_dim3A_56 : vector<16xi1>, vector<16xf32>
        %mul3A_202 = arith.mulf %select_n3A_201, %get3A_197 : vector<16xf32>
        %add3A_203 = arith.addf %add3A_200, %mul3A_202 : vector<16xf32>
        %mul3A_204 = arith.constant 7 : i32
        %mul3A_205 = arith.muli %scan3A_175, %mul3A_204 : i32
        %add3A_206 = arith.constant 1 : i32
        %add3A_207 = arith.addi %mul3A_205, %add3A_206 : i32
        %add3A_208 = arith.constant 16 : i32
        %add3A_209 = arith.addi %add3A_208, %scan3A_166 : i32
        %mul3A_210 = arith.constant 785 : i32
        %mul3A_211 = arith.muli %add3A_209, %mul3A_210 : i32
        %mul3A_212 = arith.constant 16 : i32
        %mul3A_213 = arith.muli %add3A_207, %mul3A_212 : i32
        %add3A_214 = arith.addi %mul3A_211, %mul3A_213 : i32
        %get3A_215 = arith.index_cast %add3A_214 : i32 to index
        %get3A_216 = tpu.vector_load %arg6[%get3A_215] {strides = array<i32>} : memref<50240xf32, #tpu.memory_space<vmem>>, vector<16xf32>,
        %mul3A_217 = arith.constant 784 : i32
        %mul3A_218 = arith.muli %scan3A_166, %mul3A_217 : i32
        %mul3A_219 = arith.constant 16 : i32
        %mul3A_220 = arith.muli %add3A_207, %mul3A_219 : i32
        %add3A_221 = arith.addi %mul3A_218, %mul3A_220 : i32
        %get3A_222 = arith.constant 1 : i32
        %get3A_223 = arith.index_cast %get3A_222 : i32 to index
        %get3A_224 = arith.index_cast %add3A_221 : i32 to index
        %get3A_225 = tpu.vector_load %arg7[%get3A_223, %get3A_224] {strides = array<i32>} : memref<2x12544xf32, #tpu.memory_space<vmem>>, vector<16xf32>,
        %gt3A_226 = arith.constant 5.000000e-01 : f32
        %gt3A_227 = vector.broadcast %gt3A_226 : f32 to vector<16xf32>
        %gt3A_228 = arith.cmpf ogt, %get3A_216, %gt3A_227 : vector<16xf32>
        %select_n3A_229 = arith.select %gt3A_228, %broadcast_in_dim3A_50, %broadcast_in_dim3A_52 : vector<16xi1>, vector<16xf32>
        %add3A_230 = arith.addf %add3A_203, %select_n3A_229 : vector<16xf32>
        %select_n3A_231 = arith.select %gt3A_228, %broadcast_in_dim3A_54, %broadcast_in_dim3A_56 : vector<16xi1>, vector<16xf32>
        %mul3A_232 = arith.mulf %select_n3A_231, %get3A_225 : vector<16xf32>
        %add3A_233 = arith.addf %add3A_230, %mul3A_232 : vector<16xf32>
        %mul3A_234 = arith.constant 7 : i32
        %mul3A_235 = arith.muli %scan3A_175, %mul3A_234 : i32
        %add3A_236 = arith.constant 2 : i32
        %add3A_237 = arith.addi %mul3A_235, %add3A_236 : i32
        %add3A_238 = arith.constant 16 : i32
        %add3A_239 = arith.addi %add3A_238, %scan3A_166 : i32
        %mul3A_240 = arith.constant 785 : i32
        %mul3A_241 = arith.muli %add3A_239, %mul3A_240 : i32
        %mul3A_242 = arith.constant 16 : i32
        %mul3A_243 = arith.muli %add3A_237, %mul3A_242 : i32
        %add3A_244 = arith.addi %mul3A_241, %mul3A_243 : i32
        %get3A_245 = arith.index_cast %add3A_244 : i32 to index
        %get3A_246 = tpu.vector_load %arg6[%get3A_245] {strides = array<i32>} : memref<50240xf32, #tpu.memory_space<vmem>>, vector<16xf32>,
        %mul3A_247 = arith.constant 784 : i32
        %mul3A_248 = arith.muli %scan3A_166, %mul3A_247 : i32
        %mul3A_249 = arith.constant 16 : i32
        %mul3A_250 = arith.muli %add3A_237, %mul3A_249 : i32
        %add3A_251 = arith.addi %mul3A_248, %mul3A_250 : i32
        %get3A_252 = arith.constant 1 : i32
        %get3A_253 = arith.index_cast %get3A_252 : i32 to index
        %get3A_254 = arith.index_cast %add3A_251 : i32 to index
        %get3A_255 = tpu.vector_load %arg7[%get3A_253, %get3A_254] {strides = array<i32>} : memref<2x12544xf32, #tpu.memory_space<vmem>>, vector<16xf32>,
        %gt3A_256 = arith.constant 5.000000e-01 : f32
        %gt3A_257 = vector.broadcast %gt3A_256 : f32 to vector<16xf32>
        %gt3A_258 = arith.cmpf ogt, %get3A_246, %gt3A_257 : vector<16xf32>
        %select_n3A_259 = arith.select %gt3A_258, %broadcast_in_dim3A_50, %broadcast_in_dim3A_52 : vector<16xi1>, vector<16xf32>
        %add3A_260 = arith.addf %add3A_233, %select_n3A_259 : vector<16xf32>
        %select_n3A_261 = arith.select %gt3A_258, %broadcast_in_dim3A_54, %broadcast_in_dim3A_56 : vector<16xi1>, vector<16xf32>
        %mul3A_262 = arith.mulf %select_n3A_261, %get3A_255 : vector<16xf32>
        %add3A_263 = arith.addf %add3A_260, %mul3A_262 : vector<16xf32>
        %mul3A_264 = arith.constant 7 : i32
        %mul3A_265 = arith.muli %scan3A_175, %mul3A_264 : i32
        %add3A_266 = arith.constant 3 : i32
        %add3A_267 = arith.addi %mul3A_265, %add3A_266 : i32
        %add3A_268 = arith.constant 16 : i32
        %add3A_269 = arith.addi %add3A_268, %scan3A_166 : i32
        %mul3A_270 = arith.constant 785 : i32
        %mul3A_271 = arith.muli %add3A_269, %mul3A_270 : i32
        %mul3A_272 = arith.constant 16 : i32
        %mul3A_273 = arith.muli %add3A_267, %mul3A_272 : i32
        %add3A_274 = arith.addi %mul3A_271, %mul3A_273 : i32
        %get3A_275 = arith.index_cast %add3A_274 : i32 to index
        %get3A_276 = tpu.vector_load %arg6[%get3A_275] {strides = array<i32>} : memref<50240xf32, #tpu.memory_space<vmem>>, vector<16xf32>,
        %mul3A_277 = arith.constant 784 : i32
        %mul3A_278 = arith.muli %scan3A_166, %mul3A_277 : i32
        %mul3A_279 = arith.constant 16 : i32
        %mul3A_280 = arith.muli %add3A_267, %mul3A_279 : i32
        %add3A_281 = arith.addi %mul3A_278, %mul3A_280 : i32
        %get3A_282 = arith.constant 1 : i32
        %get3A_283 = arith.index_cast %get3A_282 : i32 to index
        %get3A_284 = arith.index_cast %add3A_281 : i32 to index
        %get3A_285 = tpu.vector_load %arg7[%get3A_283, %get3A_284] {strides = array<i32>} : memref<2x12544xf32, #tpu.memory_space<vmem>>, vector<16xf32>,
        %gt3A_286 = arith.constant 5.000000e-01 : f32
        %gt3A_287 = vector.broadcast %gt3A_286 : f32 to vector<16xf32>
        %gt3A_288 = arith.cmpf ogt, %get3A_276, %gt3A_287 : vector<16xf32>
        %select_n3A_289 = arith.select %gt3A_288, %broadcast_in_dim3A_50, %broadcast_in_dim3A_52 : vector<16xi1>, vector<16xf32>
        %add3A_290 = arith.addf %add3A_263, %select_n3A_289 : vector<16xf32>
        %select_n3A_291 = arith.select %gt3A_288, %broadcast_in_dim3A_54, %broadcast_in_dim3A_56 : vector<16xi1>, vector<16xf32>
        %mul3A_292 = arith.mulf %select_n3A_291, %get3A_285 : vector<16xf32>
        %add3A_293 = arith.addf %add3A_290, %mul3A_292 : vector<16xf32>
        %mul3A_294 = arith.constant 7 : i32
        %mul3A_295 = arith.muli %scan3A_175, %mul3A_294 : i32
        %add3A_296 = arith.constant 4 : i32
        %add3A_297 = arith.addi %mul3A_295, %add3A_296 : i32
        %add3A_298 = arith.constant 16 : i32
        %add3A_299 = arith.addi %add3A_298, %scan3A_166 : i32
        %mul3A_300 = arith.constant 785 : i32
        %mul3A_301 = arith.muli %add3A_299, %mul3A_300 : i32
        %mul3A_302 = arith.constant 16 : i32
        %mul3A_303 = arith.muli %add3A_297, %mul3A_302 : i32
        %add3A_304 = arith.addi %mul3A_301, %mul3A_303 : i32
        %get3A_305 = arith.index_cast %add3A_304 : i32 to index
        %get3A_306 = tpu.vector_load %arg6[%get3A_305] {strides = array<i32>} : memref<50240xf32, #tpu.memory_space<vmem>>, vector<16xf32>,
        %mul3A_307 = arith.constant 784 : i32
        %mul3A_308 = arith.muli %scan3A_166, %mul3A_307 : i32
        %mul3A_309 = arith.constant 16 : i32
        %mul3A_310 = arith.muli %add3A_297, %mul3A_309 : i32
        %add3A_311 = arith.addi %mul3A_308, %mul3A_310 : i32
        %get3A_312 = arith.constant 1 : i32
        %get3A_313 = arith.index_cast %get3A_312 : i32 to index
        %get3A_314 = arith.index_cast %add3A_311 : i32 to index
        %get3A_315 = tpu.vector_load %arg7[%get3A_313, %get3A_314] {strides = array<i32>} : memref<2x12544xf32, #tpu.memory_space<vmem>>, vector<16xf32>,
        %gt3A_316 = arith.constant 5.000000e-01 : f32
        %gt3A_317 = vector.broadcast %gt3A_316 : f32 to vector<16xf32>
        %gt3A_318 = arith.cmpf ogt, %get3A_306, %gt3A_317 : vector<16xf32>
        %select_n3A_319 = arith.select %gt3A_318, %broadcast_in_dim3A_50, %broadcast_in_dim3A_52 : vector<16xi1>, vector<16xf32>
        %add3A_320 = arith.addf %add3A_293, %select_n3A_319 : vector<16xf32>
        %select_n3A_321 = arith.select %gt3A_318, %broadcast_in_dim3A_54, %broadcast_in_dim3A_56 : vector<16xi1>, vector<16xf32>
        %mul3A_322 = arith.mulf %select_n3A_321, %get3A_315 : vector<16xf32>
        %add3A_323 = arith.addf %add3A_320, %mul3A_322 : vector<16xf32>
        %mul3A_324 = arith.constant 7 : i32
        %mul3A_325 = arith.muli %scan3A_175, %mul3A_324 : i32
        %add3A_326 = arith.constant 5 : i32
        %add3A_327 = arith.addi %mul3A_325, %add3A_326 : i32
        %add3A_328 = arith.constant 16 : i32
        %add3A_329 = arith.addi %add3A_328, %scan3A_166 : i32
        %mul3A_330 = arith.constant 785 : i32
        %mul3A_331 = arith.muli %add3A_329, %mul3A_330 : i32
        %mul3A_332 = arith.constant 16 : i32
        %mul3A_333 = arith.muli %add3A_327, %mul3A_332 : i32
        %add3A_334 = arith.addi %mul3A_331, %mul3A_333 : i32
        %get3A_335 = arith.index_cast %add3A_334 : i32 to index
        %get3A_336 = tpu.vector_load %arg6[%get3A_335] {strides = array<i32>} : memref<50240xf32, #tpu.memory_space<vmem>>, vector<16xf32>,
        %mul3A_337 = arith.constant 784 : i32
        %mul3A_338 = arith.muli %scan3A_166, %mul3A_337 : i32
        %mul3A_339 = arith.constant 16 : i32
        %mul3A_340 = arith.muli %add3A_327, %mul3A_339 : i32
        %add3A_341 = arith.addi %mul3A_338, %mul3A_340 : i32
        %get3A_342 = arith.constant 1 : i32
        %get3A_343 = arith.index_cast %get3A_342 : i32 to index
        %get3A_344 = arith.index_cast %add3A_341 : i32 to index
        %get3A_345 = tpu.vector_load %arg7[%get3A_343, %get3A_344] {strides = array<i32>} : memref<2x12544xf32, #tpu.memory_space<vmem>>, vector<16xf32>,
        %gt3A_346 = arith.constant 5.000000e-01 : f32
        %gt3A_347 = vector.broadcast %gt3A_346 : f32 to vector<16xf32>
        %gt3A_348 = arith.cmpf ogt, %get3A_336, %gt3A_347 : vector<16xf32>
        %select_n3A_349 = arith.select %gt3A_348, %broadcast_in_dim3A_50, %broadcast_in_dim3A_52 : vector<16xi1>, vector<16xf32>
        %add3A_350 = arith.addf %add3A_323, %select_n3A_349 : vector<16xf32>
        %select_n3A_351 = arith.select %gt3A_348, %broadcast_in_dim3A_54, %broadcast_in_dim3A_56 : vector<16xi1>, vector<16xf32>
        %mul3A_352 = arith.mulf %select_n3A_351, %get3A_345 : vector<16xf32>
        %add3A_353 = arith.addf %add3A_350, %mul3A_352 : vector<16xf32>
        %mul3A_354 = arith.constant 7 : i32
        %mul3A_355 = arith.muli %scan3A_175, %mul3A_354 : i32
        %add3A_356 = arith.constant 6 : i32
        %add3A_357 = arith.addi %mul3A_355, %add3A_356 : i32
        %add3A_358 = arith.constant 16 : i32
        %add3A_359 = arith.addi %add3A_358, %scan3A_166 : i32
        %mul3A_360 = arith.constant 785 : i32
        %mul3A_361 = arith.muli %add3A_359, %mul3A_360 : i32
        %mul3A_362 = arith.constant 16 : i32
        %mul3A_363 = arith.muli %add3A_357, %mul3A_362 : i32
        %add3A_364 = arith.addi %mul3A_361, %mul3A_363 : i32
        %get3A_365 = arith.index_cast %add3A_364 : i32 to index
        %get3A_366 = tpu.vector_load %arg6[%get3A_365] {strides = array<i32>} : memref<50240xf32, #tpu.memory_space<vmem>>, vector<16xf32>,
        %mul3A_367 = arith.constant 784 : i32
        %mul3A_368 = arith.muli %scan3A_166, %mul3A_367 : i32
        %mul3A_369 = arith.constant 16 : i32
        %mul3A_370 = arith.muli %add3A_357, %mul3A_369 : i32
        %add3A_371 = arith.addi %mul3A_368, %mul3A_370 : i32
        %get3A_372 = arith.constant 1 : i32
        %get3A_373 = arith.index_cast %get3A_372 : i32 to index
        %get3A_374 = arith.index_cast %add3A_371 : i32 to index
        %get3A_375 = tpu.vector_load %arg7[%get3A_373, %get3A_374] {strides = array<i32>} : memref<2x12544xf32, #tpu.memory_space<vmem>>, vector<16xf32>,
        %gt3A_376 = arith.constant 5.000000e-01 : f32
        %gt3A_377 = vector.broadcast %gt3A_376 : f32 to vector<16xf32>
        %gt3A_378 = arith.cmpf ogt, %get3A_366, %gt3A_377 : vector<16xf32>
        %select_n3A_379 = arith.select %gt3A_378, %broadcast_in_dim3A_50, %broadcast_in_dim3A_52 : vector<16xi1>, vector<16xf32>
        %add3A_380 = arith.addf %add3A_353, %select_n3A_379 : vector<16xf32>
        %select_n3A_381 = arith.select %gt3A_378, %broadcast_in_dim3A_54, %broadcast_in_dim3A_56 : vector<16xi1>, vector<16xf32>
        %mul3A_382 = arith.mulf %select_n3A_381, %get3A_375 : vector<16xf32>
        %add3A_383 = arith.addf %add3A_380, %mul3A_382 : vector<16xf32>
        scf.yield %add3A_383 : vector<16xf32>
      }
      %scan3A_173 = arith.constant 7 : i32
      %add3A_174 = arith.addf %scan3A_167, %scan3A_172 : vector<16xf32>
      scf.yield %add3A_174 : vector<16xf32>
    }
    %scan3A_109 = arith.constant 16 : i32
    %dma_start3A_110 = arith.constant 3 : i32
    %dma_start3A_111 = arith.constant 1 : i32
    %dma_start3A_112 = arith.constant 0 : i32
    %dma_start3A_113 = tpu.memref_slice %arg7[%dma_start3A_111, %dma_start3A_112] : memref<2x12544xf32, #tpu.memory_space<vmem>> -> memref<1x12544xf32, #tpu.memory_space<vmem>>
    %dma_start3A_114 = tpu.memref_squeeze %dma_start3A_113 : memref<1x12544xf32, #tpu.memory_space<vmem>> -> memref<12544xf32, #tpu.memory_space<vmem>>
    %dma_start3A_115 = arith.constant 0 : i32
    %dma_start3A_116 = tpu.memref_slice %arg3[%add3A, %dma_start3A_110, %dma_start3A_115] : memref<32x4x12544xf32, #tpu.memory_space<hbm>> -> memref<1x1x12544xf32, #tpu.memory_space<hbm>>
    %dma_start3A_117 = tpu.memref_squeeze %dma_start3A_116 : memref<1x1x12544xf32, #tpu.memory_space<hbm>> -> memref<12544xf32, #tpu.memory_space<hbm>>
    %dma_start3A_118 = arith.constant 0 : i32
    %dma_start3A_119 = tpu.memref_slice %arg7[%dma_start3A_111, %dma_start3A_118] : memref<2x12544xf32, #tpu.memory_space<vmem>> -> memref<1x12544xf32, #tpu.memory_space<vmem>>
    %dma_start3A_120 = tpu.memref_squeeze %dma_start3A_119 : memref<1x12544xf32, #tpu.memory_space<vmem>> -> memref<12544xf32, #tpu.memory_space<vmem>>
    %dma_start3A_121 = arith.constant 0 : i32
    %dma_start3A_122 = tpu.memref_slice %arg3[%add3A, %dma_start3A_110, %dma_start3A_121] : memref<32x4x12544xf32, #tpu.memory_space<hbm>> -> memref<1x1x12544xf32, #tpu.memory_space<hbm>>
    %dma_start3A_123 = tpu.memref_squeeze %dma_start3A_122 : memref<1x1x12544xf32, #tpu.memory_space<hbm>> -> memref<12544xf32, #tpu.memory_space<hbm>>
    tpu.enqueue_dma source(%dma_start3A_123 : memref<12544xf32, #tpu.memory_space<hbm>>) target(%dma_start3A_120 : memref<12544xf32, #tpu.memory_space<vmem>>) target_semaphore(%arg10 : memref<!tpu.dma_semaphore, #tpu.memory_space<semaphore_mem>>)
    %dma_wait3A_124 = arith.constant 2 : i32
    %dma_wait3A_125 = arith.constant 0 : i32
    %dma_wait3A_126 = arith.constant 0 : i32
    %dma_wait3A_127 = tpu.memref_slice %arg7[%dma_wait3A_125, %dma_wait3A_126] : memref<2x12544xf32, #tpu.memory_space<vmem>> -> memref<1x12544xf32, #tpu.memory_space<vmem>>
    %dma_wait3A_128 = tpu.memref_squeeze %dma_wait3A_127 : memref<1x12544xf32, #tpu.memory_space<vmem>> -> memref<12544xf32, #tpu.memory_space<vmem>>
    %dma_wait3A_129 = arith.constant 0 : i32
    %dma_wait3A_130 = tpu.memref_slice %arg3[%add3A, %dma_wait3A_124, %dma_wait3A_129] : memref<32x4x12544xf32, #tpu.memory_space<hbm>> -> memref<1x1x12544xf32, #tpu.memory_space<hbm>>
    %dma_wait3A_131 = tpu.memref_squeeze %dma_wait3A_130 : memref<1x1x12544xf32, #tpu.memory_space<hbm>> -> memref<12544xf32, #tpu.memory_space<hbm>>
    %dma_wait3A_132 = arith.constant 0 : i32
    %dma_wait3A_133 = tpu.memref_slice %arg7[%dma_wait3A_125, %dma_wait3A_132] : memref<2x12544xf32, #tpu.memory_space<vmem>> -> memref<1x12544xf32, #tpu.memory_space<vmem>>
    %dma_wait3A_134 = tpu.memref_squeeze %dma_wait3A_133 : memref<1x12544xf32, #tpu.memory_space<vmem>> -> memref<12544xf32, #tpu.memory_space<vmem>>
    %dma_wait3A_135 = arith.constant 0 : i32
    %dma_wait3A_136 = tpu.memref_slice %arg3[%add3A, %dma_wait3A_124, %dma_wait3A_135] : memref<32x4x12544xf32, #tpu.memory_space<hbm>> -> memref<1x1x12544xf32, #tpu.memory_space<hbm>>
    %dma_wait3A_137 = tpu.memref_squeeze %dma_wait3A_136 : memref<1x1x12544xf32, #tpu.memory_space<hbm>> -> memref<12544xf32, #tpu.memory_space<hbm>>
    tpu.wait_dma2 semaphore(%arg9 : memref<!tpu.dma_semaphore, #tpu.memory_space<semaphore_mem>>) src(%dma_wait3A_137 : memref<12544xf32, #tpu.memory_space<hbm>>) dst(%dma_wait3A_134 : memref<12544xf32, #tpu.memory_space<vmem>>)
    %scan3A_138 = arith.constant 0 : i32
    %scan3A_139 = arith.constant 16 : i32
    %scan3A_140 = arith.addi %scan3A_138, %scan3A_139 : i32
    %scan3A_141 = arith.constant 1 : i32
    %scan3A_142 = scf.for %scan3A_166 = %scan3A_138 to %scan3A_140 step %scan3A_141 iter_args(%scan3A_167 = %scan3A_108) -> (vector<16xf32>)  : i32 {
      %scan3A_168 = arith.constant 0 : i32
      %scan3A_169 = arith.constant 7 : i32
      %scan3A_170 = arith.addi %scan3A_168, %scan3A_169 : i32
      %scan3A_171 = arith.constant 1 : i32
      %scan3A_172 = scf.for %scan3A_175 = %scan3A_168 to %scan3A_170 step %scan3A_171 iter_args(%scan3A_176 = %broadcast_in_dim3A_28) -> (vector<16xf32>)  : i32 {
        %mul3A_177 = arith.constant 7 : i32
        %mul3A_178 = arith.muli %scan3A_175, %mul3A_177 : i32
        %add3A_179 = arith.constant 0 : i32
        %add3A_180 = arith.addi %mul3A_178, %add3A_179 : i32
        %add3A_181 = arith.constant 32 : i32
        %add3A_182 = arith.addi %add3A_181, %scan3A_166 : i32
        %mul3A_183 = arith.constant 785 : i32
        %mul3A_184 = arith.muli %add3A_182, %mul3A_183 : i32
        %mul3A_185 = arith.constant 16 : i32
        %mul3A_186 = arith.muli %add3A_180, %mul3A_185 : i32
        %add3A_187 = arith.addi %mul3A_184, %mul3A_186 : i32
        %get3A = arith.index_cast %add3A_187 : i32 to index
        %get3A_188 = tpu.vector_load %arg6[%get3A] {strides = array<i32>} : memref<50240xf32, #tpu.memory_space<vmem>>, vector<16xf32>,
        %mul3A_189 = arith.constant 784 : i32
        %mul3A_190 = arith.muli %scan3A_166, %mul3A_189 : i32
        %mul3A_191 = arith.constant 16 : i32
        %mul3A_192 = arith.muli %add3A_180, %mul3A_191 : i32
        %add3A_193 = arith.addi %mul3A_190, %mul3A_192 : i32
        %get3A_194 = arith.constant 0 : i32
        %get3A_195 = arith.index_cast %get3A_194 : i32 to index
        %get3A_196 = arith.index_cast %add3A_193 : i32 to index
        %get3A_197 = tpu.vector_load %arg7[%get3A_195, %get3A_196] {strides = array<i32>} : memref<2x12544xf32, #tpu.memory_space<vmem>>, vector<16xf32>,
        %gt3A = arith.constant 5.000000e-01 : f32
        %gt3A_198 = vector.broadcast %gt3A : f32 to vector<16xf32>
        %gt3A_199 = arith.cmpf ogt, %get3A_188, %gt3A_198 : vector<16xf32>
        %select_n3A = arith.select %gt3A_199, %broadcast_in_dim3A_50, %broadcast_in_dim3A_52 : vector<16xi1>, vector<16xf32>
        %add3A_200 = arith.addf %scan3A_176, %select_n3A : vector<16xf32>
        %select_n3A_201 = arith.select %gt3A_199, %broadcast_in_dim3A_54, %broadcast_in_dim3A_56 : vector<16xi1>, vector<16xf32>
        %mul3A_202 = arith.mulf %select_n3A_201, %get3A_197 : vector<16xf32>
        %add3A_203 = arith.addf %add3A_200, %mul3A_202 : vector<16xf32>
        %mul3A_204 = arith.constant 7 : i32
        %mul3A_205 = arith.muli %scan3A_175, %mul3A_204 : i32
        %add3A_206 = arith.constant 1 : i32
        %add3A_207 = arith.addi %mul3A_205, %add3A_206 : i32
        %add3A_208 = arith.constant 32 : i32
        %add3A_209 = arith.addi %add3A_208, %scan3A_166 : i32
        %mul3A_210 = arith.constant 785 : i32
        %mul3A_211 = arith.muli %add3A_209, %mul3A_210 : i32
        %mul3A_212 = arith.constant 16 : i32
        %mul3A_213 = arith.muli %add3A_207, %mul3A_212 : i32
        %add3A_214 = arith.addi %mul3A_211, %mul3A_213 : i32
        %get3A_215 = arith.index_cast %add3A_214 : i32 to index
        %get3A_216 = tpu.vector_load %arg6[%get3A_215] {strides = array<i32>} : memref<50240xf32, #tpu.memory_space<vmem>>, vector<16xf32>,
        %mul3A_217 = arith.constant 784 : i32
        %mul3A_218 = arith.muli %scan3A_166, %mul3A_217 : i32
        %mul3A_219 = arith.constant 16 : i32
        %mul3A_220 = arith.muli %add3A_207, %mul3A_219 : i32
        %add3A_221 = arith.addi %mul3A_218, %mul3A_220 : i32
        %get3A_222 = arith.constant 0 : i32
        %get3A_223 = arith.index_cast %get3A_222 : i32 to index
        %get3A_224 = arith.index_cast %add3A_221 : i32 to index
        %get3A_225 = tpu.vector_load %arg7[%get3A_223, %get3A_224] {strides = array<i32>} : memref<2x12544xf32, #tpu.memory_space<vmem>>, vector<16xf32>,
        %gt3A_226 = arith.constant 5.000000e-01 : f32
        %gt3A_227 = vector.broadcast %gt3A_226 : f32 to vector<16xf32>
        %gt3A_228 = arith.cmpf ogt, %get3A_216, %gt3A_227 : vector<16xf32>
        %select_n3A_229 = arith.select %gt3A_228, %broadcast_in_dim3A_50, %broadcast_in_dim3A_52 : vector<16xi1>, vector<16xf32>
        %add3A_230 = arith.addf %add3A_203, %select_n3A_229 : vector<16xf32>
        %select_n3A_231 = arith.select %gt3A_228, %broadcast_in_dim3A_54, %broadcast_in_dim3A_56 : vector<16xi1>, vector<16xf32>
        %mul3A_232 = arith.mulf %select_n3A_231, %get3A_225 : vector<16xf32>
        %add3A_233 = arith.addf %add3A_230, %mul3A_232 : vector<16xf32>
        %mul3A_234 = arith.constant 7 : i32
        %mul3A_235 = arith.muli %scan3A_175, %mul3A_234 : i32
        %add3A_236 = arith.constant 2 : i32
        %add3A_237 = arith.addi %mul3A_235, %add3A_236 : i32
        %add3A_238 = arith.constant 32 : i32
        %add3A_239 = arith.addi %add3A_238, %scan3A_166 : i32
        %mul3A_240 = arith.constant 785 : i32
        %mul3A_241 = arith.muli %add3A_239, %mul3A_240 : i32
        %mul3A_242 = arith.constant 16 : i32
        %mul3A_243 = arith.muli %add3A_237, %mul3A_242 : i32
        %add3A_244 = arith.addi %mul3A_241, %mul3A_243 : i32
        %get3A_245 = arith.index_cast %add3A_244 : i32 to index
        %get3A_246 = tpu.vector_load %arg6[%get3A_245] {strides = array<i32>} : memref<50240xf32, #tpu.memory_space<vmem>>, vector<16xf32>,
        %mul3A_247 = arith.constant 784 : i32
        %mul3A_248 = arith.muli %scan3A_166, %mul3A_247 : i32
        %mul3A_249 = arith.constant 16 : i32
        %mul3A_250 = arith.muli %add3A_237, %mul3A_249 : i32
        %add3A_251 = arith.addi %mul3A_248, %mul3A_250 : i32
        %get3A_252 = arith.constant 0 : i32
        %get3A_253 = arith.index_cast %get3A_252 : i32 to index
        %get3A_254 = arith.index_cast %add3A_251 : i32 to index
        %get3A_255 = tpu.vector_load %arg7[%get3A_253, %get3A_254] {strides = array<i32>} : memref<2x12544xf32, #tpu.memory_space<vmem>>, vector<16xf32>,
        %gt3A_256 = arith.constant 5.000000e-01 : f32
        %gt3A_257 = vector.broadcast %gt3A_256 : f32 to vector<16xf32>
        %gt3A_258 = arith.cmpf ogt, %get3A_246, %gt3A_257 : vector<16xf32>
        %select_n3A_259 = arith.select %gt3A_258, %broadcast_in_dim3A_50, %broadcast_in_dim3A_52 : vector<16xi1>, vector<16xf32>
        %add3A_260 = arith.addf %add3A_233, %select_n3A_259 : vector<16xf32>
        %select_n3A_261 = arith.select %gt3A_258, %broadcast_in_dim3A_54, %broadcast_in_dim3A_56 : vector<16xi1>, vector<16xf32>
        %mul3A_262 = arith.mulf %select_n3A_261, %get3A_255 : vector<16xf32>
        %add3A_263 = arith.addf %add3A_260, %mul3A_262 : vector<16xf32>
        %mul3A_264 = arith.constant 7 : i32
        %mul3A_265 = arith.muli %scan3A_175, %mul3A_264 : i32
        %add3A_266 = arith.constant 3 : i32
        %add3A_267 = arith.addi %mul3A_265, %add3A_266 : i32
        %add3A_268 = arith.constant 32 : i32
        %add3A_269 = arith.addi %add3A_268, %scan3A_166 : i32
        %mul3A_270 = arith.constant 785 : i32
        %mul3A_271 = arith.muli %add3A_269, %mul3A_270 : i32
        %mul3A_272 = arith.constant 16 : i32
        %mul3A_273 = arith.muli %add3A_267, %mul3A_272 : i32
        %add3A_274 = arith.addi %mul3A_271, %mul3A_273 : i32
        %get3A_275 = arith.index_cast %add3A_274 : i32 to index
        %get3A_276 = tpu.vector_load %arg6[%get3A_275] {strides = array<i32>} : memref<50240xf32, #tpu.memory_space<vmem>>, vector<16xf32>,
        %mul3A_277 = arith.constant 784 : i32
        %mul3A_278 = arith.muli %scan3A_166, %mul3A_277 : i32
        %mul3A_279 = arith.constant 16 : i32
        %mul3A_280 = arith.muli %add3A_267, %mul3A_279 : i32
        %add3A_281 = arith.addi %mul3A_278, %mul3A_280 : i32
        %get3A_282 = arith.constant 0 : i32
        %get3A_283 = arith.index_cast %get3A_282 : i32 to index
        %get3A_284 = arith.index_cast %add3A_281 : i32 to index
        %get3A_285 = tpu.vector_load %arg7[%get3A_283, %get3A_284] {strides = array<i32>} : memref<2x12544xf32, #tpu.memory_space<vmem>>, vector<16xf32>,
        %gt3A_286 = arith.constant 5.000000e-01 : f32
        %gt3A_287 = vector.broadcast %gt3A_286 : f32 to vector<16xf32>
        %gt3A_288 = arith.cmpf ogt, %get3A_276, %gt3A_287 : vector<16xf32>
        %select_n3A_289 = arith.select %gt3A_288, %broadcast_in_dim3A_50, %broadcast_in_dim3A_52 : vector<16xi1>, vector<16xf32>
        %add3A_290 = arith.addf %add3A_263, %select_n3A_289 : vector<16xf32>
        %select_n3A_291 = arith.select %gt3A_288, %broadcast_in_dim3A_54, %broadcast_in_dim3A_56 : vector<16xi1>, vector<16xf32>
        %mul3A_292 = arith.mulf %select_n3A_291, %get3A_285 : vector<16xf32>
        %add3A_293 = arith.addf %add3A_290, %mul3A_292 : vector<16xf32>
        %mul3A_294 = arith.constant 7 : i32
        %mul3A_295 = arith.muli %scan3A_175, %mul3A_294 : i32
        %add3A_296 = arith.constant 4 : i32
        %add3A_297 = arith.addi %mul3A_295, %add3A_296 : i32
        %add3A_298 = arith.constant 32 : i32
        %add3A_299 = arith.addi %add3A_298, %scan3A_166 : i32
        %mul3A_300 = arith.constant 785 : i32
        %mul3A_301 = arith.muli %add3A_299, %mul3A_300 : i32
        %mul3A_302 = arith.constant 16 : i32
        %mul3A_303 = arith.muli %add3A_297, %mul3A_302 : i32
        %add3A_304 = arith.addi %mul3A_301, %mul3A_303 : i32
        %get3A_305 = arith.index_cast %add3A_304 : i32 to index
        %get3A_306 = tpu.vector_load %arg6[%get3A_305] {strides = array<i32>} : memref<50240xf32, #tpu.memory_space<vmem>>, vector<16xf32>,
        %mul3A_307 = arith.constant 784 : i32
        %mul3A_308 = arith.muli %scan3A_166, %mul3A_307 : i32
        %mul3A_309 = arith.constant 16 : i32
        %mul3A_310 = arith.muli %add3A_297, %mul3A_309 : i32
        %add3A_311 = arith.addi %mul3A_308, %mul3A_310 : i32
        %get3A_312 = arith.constant 0 : i32
        %get3A_313 = arith.index_cast %get3A_312 : i32 to index
        %get3A_314 = arith.index_cast %add3A_311 : i32 to index
        %get3A_315 = tpu.vector_load %arg7[%get3A_313, %get3A_314] {strides = array<i32>} : memref<2x12544xf32, #tpu.memory_space<vmem>>, vector<16xf32>,
        %gt3A_316 = arith.constant 5.000000e-01 : f32
        %gt3A_317 = vector.broadcast %gt3A_316 : f32 to vector<16xf32>
        %gt3A_318 = arith.cmpf ogt, %get3A_306, %gt3A_317 : vector<16xf32>
        %select_n3A_319 = arith.select %gt3A_318, %broadcast_in_dim3A_50, %broadcast_in_dim3A_52 : vector<16xi1>, vector<16xf32>
        %add3A_320 = arith.addf %add3A_293, %select_n3A_319 : vector<16xf32>
        %select_n3A_321 = arith.select %gt3A_318, %broadcast_in_dim3A_54, %broadcast_in_dim3A_56 : vector<16xi1>, vector<16xf32>
        %mul3A_322 = arith.mulf %select_n3A_321, %get3A_315 : vector<16xf32>
        %add3A_323 = arith.addf %add3A_320, %mul3A_322 : vector<16xf32>
        %mul3A_324 = arith.constant 7 : i32
        %mul3A_325 = arith.muli %scan3A_175, %mul3A_324 : i32
        %add3A_326 = arith.constant 5 : i32
        %add3A_327 = arith.addi %mul3A_325, %add3A_326 : i32
        %add3A_328 = arith.constant 32 : i32
        %add3A_329 = arith.addi %add3A_328, %scan3A_166 : i32
        %mul3A_330 = arith.constant 785 : i32
        %mul3A_331 = arith.muli %add3A_329, %mul3A_330 : i32
        %mul3A_332 = arith.constant 16 : i32
        %mul3A_333 = arith.muli %add3A_327, %mul3A_332 : i32
        %add3A_334 = arith.addi %mul3A_331, %mul3A_333 : i32
        %get3A_335 = arith.index_cast %add3A_334 : i32 to index
        %get3A_336 = tpu.vector_load %arg6[%get3A_335] {strides = array<i32>} : memref<50240xf32, #tpu.memory_space<vmem>>, vector<16xf32>,
        %mul3A_337 = arith.constant 784 : i32
        %mul3A_338 = arith.muli %scan3A_166, %mul3A_337 : i32
        %mul3A_339 = arith.constant 16 : i32
        %mul3A_340 = arith.muli %add3A_327, %mul3A_339 : i32
        %add3A_341 = arith.addi %mul3A_338, %mul3A_340 : i32
        %get3A_342 = arith.constant 0 : i32
        %get3A_343 = arith.index_cast %get3A_342 : i32 to index
        %get3A_344 = arith.index_cast %add3A_341 : i32 to index
        %get3A_345 = tpu.vector_load %arg7[%get3A_343, %get3A_344] {strides = array<i32>} : memref<2x12544xf32, #tpu.memory_space<vmem>>, vector<16xf32>,
        %gt3A_346 = arith.constant 5.000000e-01 : f32
        %gt3A_347 = vector.broadcast %gt3A_346 : f32 to vector<16xf32>
        %gt3A_348 = arith.cmpf ogt, %get3A_336, %gt3A_347 : vector<16xf32>
        %select_n3A_349 = arith.select %gt3A_348, %broadcast_in_dim3A_50, %broadcast_in_dim3A_52 : vector<16xi1>, vector<16xf32>
        %add3A_350 = arith.addf %add3A_323, %select_n3A_349 : vector<16xf32>
        %select_n3A_351 = arith.select %gt3A_348, %broadcast_in_dim3A_54, %broadcast_in_dim3A_56 : vector<16xi1>, vector<16xf32>
        %mul3A_352 = arith.mulf %select_n3A_351, %get3A_345 : vector<16xf32>
        %add3A_353 = arith.addf %add3A_350, %mul3A_352 : vector<16xf32>
        %mul3A_354 = arith.constant 7 : i32
        %mul3A_355 = arith.muli %scan3A_175, %mul3A_354 : i32
        %add3A_356 = arith.constant 6 : i32
        %add3A_357 = arith.addi %mul3A_355, %add3A_356 : i32
        %add3A_358 = arith.constant 32 : i32
        %add3A_359 = arith.addi %add3A_358, %scan3A_166 : i32
        %mul3A_360 = arith.constant 785 : i32
        %mul3A_361 = arith.muli %add3A_359, %mul3A_360 : i32
        %mul3A_362 = arith.constant 16 : i32
        %mul3A_363 = arith.muli %add3A_357, %mul3A_362 : i32
        %add3A_364 = arith.addi %mul3A_361, %mul3A_363 : i32
        %get3A_365 = arith.index_cast %add3A_364 : i32 to index
        %get3A_366 = tpu.vector_load %arg6[%get3A_365] {strides = array<i32>} : memref<50240xf32, #tpu.memory_space<vmem>>, vector<16xf32>,
        %mul3A_367 = arith.constant 784 : i32
        %mul3A_368 = arith.muli %scan3A_166, %mul3A_367 : i32
        %mul3A_369 = arith.constant 16 : i32
        %mul3A_370 = arith.muli %add3A_357, %mul3A_369 : i32
        %add3A_371 = arith.addi %mul3A_368, %mul3A_370 : i32
        %get3A_372 = arith.constant 0 : i32
        %get3A_373 = arith.index_cast %get3A_372 : i32 to index
        %get3A_374 = arith.index_cast %add3A_371 : i32 to index
        %get3A_375 = tpu.vector_load %arg7[%get3A_373, %get3A_374] {strides = array<i32>} : memref<2x12544xf32, #tpu.memory_space<vmem>>, vector<16xf32>,
        %gt3A_376 = arith.constant 5.000000e-01 : f32
        %gt3A_377 = vector.broadcast %gt3A_376 : f32 to vector<16xf32>
        %gt3A_378 = arith.cmpf ogt, %get3A_366, %gt3A_377 : vector<16xf32>
        %select_n3A_379 = arith.select %gt3A_378, %broadcast_in_dim3A_50, %broadcast_in_dim3A_52 : vector<16xi1>, vector<16xf32>
        %add3A_380 = arith.addf %add3A_353, %select_n3A_379 : vector<16xf32>
        %select_n3A_381 = arith.select %gt3A_378, %broadcast_in_dim3A_54, %broadcast_in_dim3A_56 : vector<16xi1>, vector<16xf32>
        %mul3A_382 = arith.mulf %select_n3A_381, %get3A_375 : vector<16xf32>
        %add3A_383 = arith.addf %add3A_380, %mul3A_382 : vector<16xf32>
        scf.yield %add3A_383 : vector<16xf32>
      }
      %scan3A_173 = arith.constant 7 : i32
      %add3A_174 = arith.addf %scan3A_167, %scan3A_172 : vector<16xf32>
      scf.yield %add3A_174 : vector<16xf32>
    }
    %scan3A_143 = arith.constant 16 : i32
    %dma_wait3A_144 = arith.constant 3 : i32
    %dma_wait3A_145 = arith.constant 1 : i32
    %dma_wait3A_146 = arith.constant 0 : i32
    %dma_wait3A_147 = tpu.memref_slice %arg7[%dma_wait3A_145, %dma_wait3A_146] : memref<2x12544xf32, #tpu.memory_space<vmem>> -> memref<1x12544xf32, #tpu.memory_space<vmem>>
    %dma_wait3A_148 = tpu.memref_squeeze %dma_wait3A_147 : memref<1x12544xf32, #tpu.memory_space<vmem>> -> memref<12544xf32, #tpu.memory_space<vmem>>
    %dma_wait3A_149 = arith.constant 0 : i32
    %dma_wait3A_150 = tpu.memref_slice %arg3[%add3A, %dma_wait3A_144, %dma_wait3A_149] : memref<32x4x12544xf32, #tpu.memory_space<hbm>> -> memref<1x1x12544xf32, #tpu.memory_space<hbm>>
    %dma_wait3A_151 = tpu.memref_squeeze %dma_wait3A_150 : memref<1x1x12544xf32, #tpu.memory_space<hbm>> -> memref<12544xf32, #tpu.memory_space<hbm>>
    %dma_wait3A_152 = arith.constant 0 : i32
    %dma_wait3A_153 = tpu.memref_slice %arg7[%dma_wait3A_145, %dma_wait3A_152] : memref<2x12544xf32, #tpu.memory_space<vmem>> -> memref<1x12544xf32, #tpu.memory_space<vmem>>
    %dma_wait3A_154 = tpu.memref_squeeze %dma_wait3A_153 : memref<1x12544xf32, #tpu.memory_space<vmem>> -> memref<12544xf32, #tpu.memory_space<vmem>>
    %dma_wait3A_155 = arith.constant 0 : i32
    %dma_wait3A_156 = tpu.memref_slice %arg3[%add3A, %dma_wait3A_144, %dma_wait3A_155] : memref<32x4x12544xf32, #tpu.memory_space<hbm>> -> memref<1x1x12544xf32, #tpu.memory_space<hbm>>
    %dma_wait3A_157 = tpu.memref_squeeze %dma_wait3A_156 : memref<1x1x12544xf32, #tpu.memory_space<hbm>> -> memref<12544xf32, #tpu.memory_space<hbm>>
    tpu.wait_dma2 semaphore(%arg10 : memref<!tpu.dma_semaphore, #tpu.memory_space<semaphore_mem>>) src(%dma_wait3A_157 : memref<12544xf32, #tpu.memory_space<hbm>>) dst(%dma_wait3A_154 : memref<12544xf32, #tpu.memory_space<vmem>>)
    %scan3A_158 = arith.constant 0 : i32
    %scan3A_159 = arith.constant 16 : i32
    %scan3A_160 = arith.addi %scan3A_158, %scan3A_159 : i32
    %scan3A_161 = arith.constant 1 : i32
    %scan3A_162 = scf.for %scan3A_166 = %scan3A_158 to %scan3A_160 step %scan3A_161 iter_args(%scan3A_167 = %scan3A_142) -> (vector<16xf32>)  : i32 {
      %scan3A_168 = arith.constant 0 : i32
      %scan3A_169 = arith.constant 7 : i32
      %scan3A_170 = arith.addi %scan3A_168, %scan3A_169 : i32
      %scan3A_171 = arith.constant 1 : i32
      %scan3A_172 = scf.for %scan3A_175 = %scan3A_168 to %scan3A_170 step %scan3A_171 iter_args(%scan3A_176 = %broadcast_in_dim3A_28) -> (vector<16xf32>)  : i32 {
        %mul3A_177 = arith.constant 7 : i32
        %mul3A_178 = arith.muli %scan3A_175, %mul3A_177 : i32
        %add3A_179 = arith.constant 0 : i32
        %add3A_180 = arith.addi %mul3A_178, %add3A_179 : i32
        %add3A_181 = arith.constant 48 : i32
        %add3A_182 = arith.addi %add3A_181, %scan3A_166 : i32
        %mul3A_183 = arith.constant 785 : i32
        %mul3A_184 = arith.muli %add3A_182, %mul3A_183 : i32
        %mul3A_185 = arith.constant 16 : i32
        %mul3A_186 = arith.muli %add3A_180, %mul3A_185 : i32
        %add3A_187 = arith.addi %mul3A_184, %mul3A_186 : i32
        %get3A = arith.index_cast %add3A_187 : i32 to index
        %get3A_188 = tpu.vector_load %arg6[%get3A] {strides = array<i32>} : memref<50240xf32, #tpu.memory_space<vmem>>, vector<16xf32>,
        %mul3A_189 = arith.constant 784 : i32
        %mul3A_190 = arith.muli %scan3A_166, %mul3A_189 : i32
        %mul3A_191 = arith.constant 16 : i32
        %mul3A_192 = arith.muli %add3A_180, %mul3A_191 : i32
        %add3A_193 = arith.addi %mul3A_190, %mul3A_192 : i32
        %get3A_194 = arith.constant 1 : i32
        %get3A_195 = arith.index_cast %get3A_194 : i32 to index
        %get3A_196 = arith.index_cast %add3A_193 : i32 to index
        %get3A_197 = tpu.vector_load %arg7[%get3A_195, %get3A_196] {strides = array<i32>} : memref<2x12544xf32, #tpu.memory_space<vmem>>, vector<16xf32>,
        %gt3A = arith.constant 5.000000e-01 : f32
        %gt3A_198 = vector.broadcast %gt3A : f32 to vector<16xf32>
        %gt3A_199 = arith.cmpf ogt, %get3A_188, %gt3A_198 : vector<16xf32>
        %select_n3A = arith.select %gt3A_199, %broadcast_in_dim3A_50, %broadcast_in_dim3A_52 : vector<16xi1>, vector<16xf32>
        %add3A_200 = arith.addf %scan3A_176, %select_n3A : vector<16xf32>
        %select_n3A_201 = arith.select %gt3A_199, %broadcast_in_dim3A_54, %broadcast_in_dim3A_56 : vector<16xi1>, vector<16xf32>
        %mul3A_202 = arith.mulf %select_n3A_201, %get3A_197 : vector<16xf32>
        %add3A_203 = arith.addf %add3A_200, %mul3A_202 : vector<16xf32>
        %mul3A_204 = arith.constant 7 : i32
        %mul3A_205 = arith.muli %scan3A_175, %mul3A_204 : i32
        %add3A_206 = arith.constant 1 : i32
        %add3A_207 = arith.addi %mul3A_205, %add3A_206 : i32
        %add3A_208 = arith.constant 48 : i32
        %add3A_209 = arith.addi %add3A_208, %scan3A_166 : i32
        %mul3A_210 = arith.constant 785 : i32
        %mul3A_211 = arith.muli %add3A_209, %mul3A_210 : i32
        %mul3A_212 = arith.constant 16 : i32
        %mul3A_213 = arith.muli %add3A_207, %mul3A_212 : i32
        %add3A_214 = arith.addi %mul3A_211, %mul3A_213 : i32
        %get3A_215 = arith.index_cast %add3A_214 : i32 to index
        %get3A_216 = tpu.vector_load %arg6[%get3A_215] {strides = array<i32>} : memref<50240xf32, #tpu.memory_space<vmem>>, vector<16xf32>,
        %mul3A_217 = arith.constant 784 : i32
        %mul3A_218 = arith.muli %scan3A_166, %mul3A_217 : i32
        %mul3A_219 = arith.constant 16 : i32
        %mul3A_220 = arith.muli %add3A_207, %mul3A_219 : i32
        %add3A_221 = arith.addi %mul3A_218, %mul3A_220 : i32
        %get3A_222 = arith.constant 1 : i32
        %get3A_223 = arith.index_cast %get3A_222 : i32 to index
        %get3A_224 = arith.index_cast %add3A_221 : i32 to index
        %get3A_225 = tpu.vector_load %arg7[%get3A_223, %get3A_224] {strides = array<i32>} : memref<2x12544xf32, #tpu.memory_space<vmem>>, vector<16xf32>,
        %gt3A_226 = arith.constant 5.000000e-01 : f32
        %gt3A_227 = vector.broadcast %gt3A_226 : f32 to vector<16xf32>
        %gt3A_228 = arith.cmpf ogt, %get3A_216, %gt3A_227 : vector<16xf32>
        %select_n3A_229 = arith.select %gt3A_228, %broadcast_in_dim3A_50, %broadcast_in_dim3A_52 : vector<16xi1>, vector<16xf32>
        %add3A_230 = arith.addf %add3A_203, %select_n3A_229 : vector<16xf32>
        %select_n3A_231 = arith.select %gt3A_228, %broadcast_in_dim3A_54, %broadcast_in_dim3A_56 : vector<16xi1>, vector<16xf32>
        %mul3A_232 = arith.mulf %select_n3A_231, %get3A_225 : vector<16xf32>
        %add3A_233 = arith.addf %add3A_230, %mul3A_232 : vector<16xf32>
        %mul3A_234 = arith.constant 7 : i32
        %mul3A_235 = arith.muli %scan3A_175, %mul3A_234 : i32
        %add3A_236 = arith.constant 2 : i32
        %add3A_237 = arith.addi %mul3A_235, %add3A_236 : i32
        %add3A_238 = arith.constant 48 : i32
        %add3A_239 = arith.addi %add3A_238, %scan3A_166 : i32
        %mul3A_240 = arith.constant 785 : i32
        %mul3A_241 = arith.muli %add3A_239, %mul3A_240 : i32
        %mul3A_242 = arith.constant 16 : i32
        %mul3A_243 = arith.muli %add3A_237, %mul3A_242 : i32
        %add3A_244 = arith.addi %mul3A_241, %mul3A_243 : i32
        %get3A_245 = arith.index_cast %add3A_244 : i32 to index
        %get3A_246 = tpu.vector_load %arg6[%get3A_245] {strides = array<i32>} : memref<50240xf32, #tpu.memory_space<vmem>>, vector<16xf32>,
        %mul3A_247 = arith.constant 784 : i32
        %mul3A_248 = arith.muli %scan3A_166, %mul3A_247 : i32
        %mul3A_249 = arith.constant 16 : i32
        %mul3A_250 = arith.muli %add3A_237, %mul3A_249 : i32
        %add3A_251 = arith.addi %mul3A_248, %mul3A_250 : i32
        %get3A_252 = arith.constant 1 : i32
        %get3A_253 = arith.index_cast %get3A_252 : i32 to index
        %get3A_254 = arith.index_cast %add3A_251 : i32 to index
        %get3A_255 = tpu.vector_load %arg7[%get3A_253, %get3A_254] {strides = array<i32>} : memref<2x12544xf32, #tpu.memory_space<vmem>>, vector<16xf32>,
        %gt3A_256 = arith.constant 5.000000e-01 : f32
        %gt3A_257 = vector.broadcast %gt3A_256 : f32 to vector<16xf32>
        %gt3A_258 = arith.cmpf ogt, %get3A_246, %gt3A_257 : vector<16xf32>
        %select_n3A_259 = arith.select %gt3A_258, %broadcast_in_dim3A_50, %broadcast_in_dim3A_52 : vector<16xi1>, vector<16xf32>
        %add3A_260 = arith.addf %add3A_233, %select_n3A_259 : vector<16xf32>
        %select_n3A_261 = arith.select %gt3A_258, %broadcast_in_dim3A_54, %broadcast_in_dim3A_56 : vector<16xi1>, vector<16xf32>
        %mul3A_262 = arith.mulf %select_n3A_261, %get3A_255 : vector<16xf32>
        %add3A_263 = arith.addf %add3A_260, %mul3A_262 : vector<16xf32>
        %mul3A_264 = arith.constant 7 : i32
        %mul3A_265 = arith.muli %scan3A_175, %mul3A_264 : i32
        %add3A_266 = arith.constant 3 : i32
        %add3A_267 = arith.addi %mul3A_265, %add3A_266 : i32
        %add3A_268 = arith.constant 48 : i32
        %add3A_269 = arith.addi %add3A_268, %scan3A_166 : i32
        %mul3A_270 = arith.constant 785 : i32
        %mul3A_271 = arith.muli %add3A_269, %mul3A_270 : i32
        %mul3A_272 = arith.constant 16 : i32
        %mul3A_273 = arith.muli %add3A_267, %mul3A_272 : i32
        %add3A_274 = arith.addi %mul3A_271, %mul3A_273 : i32
        %get3A_275 = arith.index_cast %add3A_274 : i32 to index
        %get3A_276 = tpu.vector_load %arg6[%get3A_275] {strides = array<i32>} : memref<50240xf32, #tpu.memory_space<vmem>>, vector<16xf32>,
        %mul3A_277 = arith.constant 784 : i32
        %mul3A_278 = arith.muli %scan3A_166, %mul3A_277 : i32
        %mul3A_279 = arith.constant 16 : i32
        %mul3A_280 = arith.muli %add3A_267, %mul3A_279 : i32
        %add3A_281 = arith.addi %mul3A_278, %mul3A_280 : i32
        %get3A_282 = arith.constant 1 : i32
        %get3A_283 = arith.index_cast %get3A_282 : i32 to index
        %get3A_284 = arith.index_cast %add3A_281 : i32 to index
        %get3A_285 = tpu.vector_load %arg7[%get3A_283, %get3A_284] {strides = array<i32>} : memref<2x12544xf32, #tpu.memory_space<vmem>>, vector<16xf32>,
        %gt3A_286 = arith.constant 5.000000e-01 : f32
        %gt3A_287 = vector.broadcast %gt3A_286 : f32 to vector<16xf32>
        %gt3A_288 = arith.cmpf ogt, %get3A_276, %gt3A_287 : vector<16xf32>
        %select_n3A_289 = arith.select %gt3A_288, %broadcast_in_dim3A_50, %broadcast_in_dim3A_52 : vector<16xi1>, vector<16xf32>
        %add3A_290 = arith.addf %add3A_263, %select_n3A_289 : vector<16xf32>
        %select_n3A_291 = arith.select %gt3A_288, %broadcast_in_dim3A_54, %broadcast_in_dim3A_56 : vector<16xi1>, vector<16xf32>
        %mul3A_292 = arith.mulf %select_n3A_291, %get3A_285 : vector<16xf32>
        %add3A_293 = arith.addf %add3A_290, %mul3A_292 : vector<16xf32>
        %mul3A_294 = arith.constant 7 : i32
        %mul3A_295 = arith.muli %scan3A_175, %mul3A_294 : i32
        %add3A_296 = arith.constant 4 : i32
        %add3A_297 = arith.addi %mul3A_295, %add3A_296 : i32
        %add3A_298 = arith.constant 48 : i32
        %add3A_299 = arith.addi %add3A_298, %scan3A_166 : i32
        %mul3A_300 = arith.constant 785 : i32
        %mul3A_301 = arith.muli %add3A_299, %mul3A_300 : i32
        %mul3A_302 = arith.constant 16 : i32
        %mul3A_303 = arith.muli %add3A_297, %mul3A_302 : i32
        %add3A_304 = arith.addi %mul3A_301, %mul3A_303 : i32
        %get3A_305 = arith.index_cast %add3A_304 : i32 to index
        %get3A_306 = tpu.vector_load %arg6[%get3A_305] {strides = array<i32>} : memref<50240xf32, #tpu.memory_space<vmem>>, vector<16xf32>,
        %mul3A_307 = arith.constant 784 : i32
        %mul3A_308 = arith.muli %scan3A_166, %mul3A_307 : i32
        %mul3A_309 = arith.constant 16 : i32
        %mul3A_310 = arith.muli %add3A_297, %mul3A_309 : i32
        %add3A_311 = arith.addi %mul3A_308, %mul3A_310 : i32
        %get3A_312 = arith.constant 1 : i32
        %get3A_313 = arith.index_cast %get3A_312 : i32 to index
        %get3A_314 = arith.index_cast %add3A_311 : i32 to index
        %get3A_315 = tpu.vector_load %arg7[%get3A_313, %get3A_314] {strides = array<i32>} : memref<2x12544xf32, #tpu.memory_space<vmem>>, vector<16xf32>,
        %gt3A_316 = arith.constant 5.000000e-01 : f32
        %gt3A_317 = vector.broadcast %gt3A_316 : f32 to vector<16xf32>
        %gt3A_318 = arith.cmpf ogt, %get3A_306, %gt3A_317 : vector<16xf32>
        %select_n3A_319 = arith.select %gt3A_318, %broadcast_in_dim3A_50, %broadcast_in_dim3A_52 : vector<16xi1>, vector<16xf32>
        %add3A_320 = arith.addf %add3A_293, %select_n3A_319 : vector<16xf32>
        %select_n3A_321 = arith.select %gt3A_318, %broadcast_in_dim3A_54, %broadcast_in_dim3A_56 : vector<16xi1>, vector<16xf32>
        %mul3A_322 = arith.mulf %select_n3A_321, %get3A_315 : vector<16xf32>
        %add3A_323 = arith.addf %add3A_320, %mul3A_322 : vector<16xf32>
        %mul3A_324 = arith.constant 7 : i32
        %mul3A_325 = arith.muli %scan3A_175, %mul3A_324 : i32
        %add3A_326 = arith.constant 5 : i32
        %add3A_327 = arith.addi %mul3A_325, %add3A_326 : i32
        %add3A_328 = arith.constant 48 : i32
        %add3A_329 = arith.addi %add3A_328, %scan3A_166 : i32
        %mul3A_330 = arith.constant 785 : i32
        %mul3A_331 = arith.muli %add3A_329, %mul3A_330 : i32
        %mul3A_332 = arith.constant 16 : i32
        %mul3A_333 = arith.muli %add3A_327, %mul3A_332 : i32
        %add3A_334 = arith.addi %mul3A_331, %mul3A_333 : i32
        %get3A_335 = arith.index_cast %add3A_334 : i32 to index
        %get3A_336 = tpu.vector_load %arg6[%get3A_335] {strides = array<i32>} : memref<50240xf32, #tpu.memory_space<vmem>>, vector<16xf32>,
        %mul3A_337 = arith.constant 784 : i32
        %mul3A_338 = arith.muli %scan3A_166, %mul3A_337 : i32
        %mul3A_339 = arith.constant 16 : i32
        %mul3A_340 = arith.muli %add3A_327, %mul3A_339 : i32
        %add3A_341 = arith.addi %mul3A_338, %mul3A_340 : i32
        %get3A_342 = arith.constant 1 : i32
        %get3A_343 = arith.index_cast %get3A_342 : i32 to index
        %get3A_344 = arith.index_cast %add3A_341 : i32 to index
        %get3A_345 = tpu.vector_load %arg7[%get3A_343, %get3A_344] {strides = array<i32>} : memref<2x12544xf32, #tpu.memory_space<vmem>>, vector<16xf32>,
        %gt3A_346 = arith.constant 5.000000e-01 : f32
        %gt3A_347 = vector.broadcast %gt3A_346 : f32 to vector<16xf32>
        %gt3A_348 = arith.cmpf ogt, %get3A_336, %gt3A_347 : vector<16xf32>
        %select_n3A_349 = arith.select %gt3A_348, %broadcast_in_dim3A_50, %broadcast_in_dim3A_52 : vector<16xi1>, vector<16xf32>
        %add3A_350 = arith.addf %add3A_323, %select_n3A_349 : vector<16xf32>
        %select_n3A_351 = arith.select %gt3A_348, %broadcast_in_dim3A_54, %broadcast_in_dim3A_56 : vector<16xi1>, vector<16xf32>
        %mul3A_352 = arith.mulf %select_n3A_351, %get3A_345 : vector<16xf32>
        %add3A_353 = arith.addf %add3A_350, %mul3A_352 : vector<16xf32>
        %mul3A_354 = arith.constant 7 : i32
        %mul3A_355 = arith.muli %scan3A_175, %mul3A_354 : i32
        %add3A_356 = arith.constant 6 : i32
        %add3A_357 = arith.addi %mul3A_355, %add3A_356 : i32
        %add3A_358 = arith.constant 48 : i32
        %add3A_359 = arith.addi %add3A_358, %scan3A_166 : i32
        %mul3A_360 = arith.constant 785 : i32
        %mul3A_361 = arith.muli %add3A_359, %mul3A_360 : i32
        %mul3A_362 = arith.constant 16 : i32
        %mul3A_363 = arith.muli %add3A_357, %mul3A_362 : i32
        %add3A_364 = arith.addi %mul3A_361, %mul3A_363 : i32
        %get3A_365 = arith.index_cast %add3A_364 : i32 to index
        %get3A_366 = tpu.vector_load %arg6[%get3A_365] {strides = array<i32>} : memref<50240xf32, #tpu.memory_space<vmem>>, vector<16xf32>,
        %mul3A_367 = arith.constant 784 : i32
        %mul3A_368 = arith.muli %scan3A_166, %mul3A_367 : i32
        %mul3A_369 = arith.constant 16 : i32
        %mul3A_370 = arith.muli %add3A_357, %mul3A_369 : i32
        %add3A_371 = arith.addi %mul3A_368, %mul3A_370 : i32
        %get3A_372 = arith.constant 1 : i32
        %get3A_373 = arith.index_cast %get3A_372 : i32 to index
        %get3A_374 = arith.index_cast %add3A_371 : i32 to index
        %get3A_375 = tpu.vector_load %arg7[%get3A_373, %get3A_374] {strides = array<i32>} : memref<2x12544xf32, #tpu.memory_space<vmem>>, vector<16xf32>,
        %gt3A_376 = arith.constant 5.000000e-01 : f32
        %gt3A_377 = vector.broadcast %gt3A_376 : f32 to vector<16xf32>
        %gt3A_378 = arith.cmpf ogt, %get3A_366, %gt3A_377 : vector<16xf32>
        %select_n3A_379 = arith.select %gt3A_378, %broadcast_in_dim3A_50, %broadcast_in_dim3A_52 : vector<16xi1>, vector<16xf32>
        %add3A_380 = arith.addf %add3A_353, %select_n3A_379 : vector<16xf32>
        %select_n3A_381 = arith.select %gt3A_378, %broadcast_in_dim3A_54, %broadcast_in_dim3A_56 : vector<16xi1>, vector<16xf32>
        %mul3A_382 = arith.mulf %select_n3A_381, %get3A_375 : vector<16xf32>
        %add3A_383 = arith.addf %add3A_380, %mul3A_382 : vector<16xf32>
        scf.yield %add3A_383 : vector<16xf32>
      }
      %scan3A_173 = arith.constant 7 : i32
      %add3A_174 = arith.addf %scan3A_167, %scan3A_172 : vector<16xf32>
      scf.yield %add3A_174 : vector<16xf32>
    }
    %scan3A_163 = arith.constant 16 : i32
    %swap3A_164 = arith.constant 0 : index
    %swap3A_165 = tpu.vector_load %arg8[%swap3A_164] {strides = array<i32>} : memref<16xf32, #tpu.memory_space<vmem>>, vector<16xf32>,
    tpu.vector_store %arg8[%swap3A_164], %scan3A_162 {strides = array<i32>} : memref<16xf32, #tpu.memory_space<vmem>>, vector<16xf32>,
    "tpu.region"() ({
      %run_scoped3A = tpu.sem_alloc : memref<!tpu.dma_semaphore, #tpu.memory_space<semaphore_mem>>
      %dma_start3A_166 = arith.constant 0 : i32
      %dma_start3A_167 = tpu.memref_slice %arg4[%add3A, %dma_start3A_166] : memref<32x16xf32, #tpu.memory_space<hbm>> -> memref<1x16xf32, #tpu.memory_space<hbm>>
      %dma_start3A_168 = tpu.memref_squeeze %dma_start3A_167 : memref<1x16xf32, #tpu.memory_space<hbm>> -> memref<16xf32, #tpu.memory_space<hbm>>
      %dma_start3A_169 = arith.constant 0 : i32
      %dma_start3A_170 = tpu.memref_slice %arg4[%add3A, %dma_start3A_169] : memref<32x16xf32, #tpu.memory_space<hbm>> -> memref<1x16xf32, #tpu.memory_space<hbm>>
      %dma_start3A_171 = tpu.memref_squeeze %dma_start3A_170 : memref<1x16xf32, #tpu.memory_space<hbm>> -> memref<16xf32, #tpu.memory_space<hbm>>
      tpu.enqueue_dma source(%arg8 : memref<16xf32, #tpu.memory_space<vmem>>) target(%dma_start3A_171 : memref<16xf32, #tpu.memory_space<hbm>>) target_semaphore(%run_scoped3A : memref<!tpu.dma_semaphore, #tpu.memory_space<semaphore_mem>>)
      %dma_wait3A_172 = arith.constant 0 : i32
      %dma_wait3A_173 = tpu.memref_slice %arg4[%add3A, %dma_wait3A_172] : memref<32x16xf32, #tpu.memory_space<hbm>> -> memref<1x16xf32, #tpu.memory_space<hbm>>
      %dma_wait3A_174 = tpu.memref_squeeze %dma_wait3A_173 : memref<1x16xf32, #tpu.memory_space<hbm>> -> memref<16xf32, #tpu.memory_space<hbm>>
      %dma_wait3A_175 = arith.constant 0 : i32
      %dma_wait3A_176 = tpu.memref_slice %arg4[%add3A, %dma_wait3A_175] : memref<32x16xf32, #tpu.memory_space<hbm>> -> memref<1x16xf32, #tpu.memory_space<hbm>>
      %dma_wait3A_177 = tpu.memref_squeeze %dma_wait3A_176 : memref<1x16xf32, #tpu.memory_space<hbm>> -> memref<16xf32, #tpu.memory_space<hbm>>
      tpu.wait_dma2 semaphore(%run_scoped3A : memref<!tpu.dma_semaphore, #tpu.memory_space<semaphore_mem>>) src(%arg8 : memref<16xf32, #tpu.memory_space<vmem>>) dst(%dma_wait3A_177 : memref<16xf32, #tpu.memory_space<hbm>>)
      tpu.yield
    }) : () -> ()
    return
  }
}

module attributes {stable_mosaic.version = 14 : i64} {
  func.func @_tc_combine_body(%arg0: memref<2048x256xf32, #tpu.memory_space<vmem>>, %arg1: memref<2048x256xf32, #tpu.memory_space<vmem>>, %arg2: memref<32x16xf32, #tpu.memory_space<vmem>>, %arg3: memref<1x1xf32, #tpu.memory_space<smem>>, %arg4: memref<1x1xf32, #tpu.memory_space<smem>>, %arg5: memref<1x1xf32, #tpu.memory_space<smem>>) attributes {dimension_semantics = [], scalar_prefetch = 0 : i64, scratch_operands = 0 : i64, tpu.core_type = #tpu.core_type<tc>} {
    %get3A = arith.constant 0 : index
    %get3A_0 = arith.constant 0 : index
    %get3A_1 = vector.load %arg0[%get3A, %get3A_0] : memref<2048x256xf32, #tpu.memory_space<vmem>>, vector<2048x256xf32>
    %get3A_2 = arith.constant 0 : index
    %get3A_3 = arith.constant 0 : index
    %get3A_4 = vector.load %arg1[%get3A_2, %get3A_3] : memref<2048x256xf32, #tpu.memory_space<vmem>>, vector<2048x256xf32>
    %sub3A = arith.subf %get3A_1, %get3A_4 : vector<2048x256xf32>
    %mul3A = arith.mulf %sub3A, %sub3A : vector<2048x256xf32>
    %reduce_sum3A = vector.shape_cast %mul3A : vector<2048x256xf32> to vector<1x2048x256xf32>
    %reduce_sum3A_5 = arith.constant dense<0.000000e+00> : vector<1xf32>
    %reduce_sum3A_6 = vector.multi_reduction <add>, %reduce_sum3A, %reduce_sum3A_5 [1, 2] : vector<1x2048x256xf32> to vector<1xf32>
    %reduce_sum3A_7 = vector.shape_cast %reduce_sum3A_6 : vector<1xf32> to vector<1x1x1xf32>
    %reduce_sum3A_8 = vector.extract %reduce_sum3A_7[0, 0, 0] : f32 from vector<1x1x1xf32>
    %mul3A_9 = arith.constant 1.90734863E-6 : f32
    %mul3A_10 = arith.mulf %reduce_sum3A_8, %mul3A_9 : f32
    %get3A_11 = arith.constant 0 : index
    %get3A_12 = arith.constant 0 : index
    %get3A_13 = vector.load %arg2[%get3A_11, %get3A_12] : memref<32x16xf32, #tpu.memory_space<vmem>>, vector<32x16xf32>
    %reduce_sum3A_14 = vector.shape_cast %get3A_13 : vector<32x16xf32> to vector<1x32x16xf32>
    %reduce_sum3A_15 = arith.constant dense<0.000000e+00> : vector<1xf32>
    %reduce_sum3A_16 = vector.multi_reduction <add>, %reduce_sum3A_14, %reduce_sum3A_15 [1, 2] : vector<1x32x16xf32> to vector<1xf32>
    %reduce_sum3A_17 = vector.shape_cast %reduce_sum3A_16 : vector<1xf32> to vector<1x1x1xf32>
    %reduce_sum3A_18 = vector.extract %reduce_sum3A_17[0, 0, 0] : f32 from vector<1x1x1xf32>
    %mul3A_19 = arith.constant 6.22807704E-7 : f32
    %mul3A_20 = arith.mulf %reduce_sum3A_18, %mul3A_19 : f32
    %swap3A = arith.constant 0 : index
    %swap3A_21 = arith.constant 0 : index
    %swap3A_22 = memref.load %arg3[%swap3A, %swap3A_21] : memref<1x1xf32, #tpu.memory_space<smem>>
    memref.store %mul3A_10, %arg3[%swap3A, %swap3A_21] : memref<1x1xf32, #tpu.memory_space<smem>>
    %swap3A_23 = arith.constant 0 : index
    %swap3A_24 = arith.constant 0 : index
    %swap3A_25 = memref.load %arg4[%swap3A_23, %swap3A_24] : memref<1x1xf32, #tpu.memory_space<smem>>
    memref.store %mul3A_20, %arg4[%swap3A_23, %swap3A_24] : memref<1x1xf32, #tpu.memory_space<smem>>
    %mul3A_26 = arith.constant 5.000000e-01 : f32
    %mul3A_27 = arith.mulf %mul3A_26, %mul3A_20 : f32
    %add3A = arith.addf %mul3A_10, %mul3A_27 : f32
    %swap3A_28 = arith.constant 0 : index
    %swap3A_29 = arith.constant 0 : index
    %swap3A_30 = memref.load %arg5[%swap3A_28, %swap3A_29] : memref<1x1xf32, #tpu.memory_space<smem>>
    memref.store %add3A, %arg5[%swap3A_28, %swap3A_29] : memref<1x1xf32, #tpu.memory_space<smem>>
    return
  }
}

</mosaic_0001>

<sc_bundles>
// kernel: kernel.4.cloned.1.call-start
scs
__scs_entry_jumppad:
0x0: {  	(pc) =	sbr.rel $0x88, $3  }
0x1: {  	(tag) =	ssettag $0x0;
	lr =	simm.s32 $0x1  }
0x2: {  	[smem:$0x3F9E] =	sst lr;
	_ =	strace $0xD0000000  }
0x3: {  	_ = 	snop  }
0x4: {  	_ = 	snop  }
0x5: {  	_ = 	snop  }
0x6: {  	_ = 	snop  }
0x7: {  	_ = 	snop  }
__scs_overlays_trampoline_lowered:
0x8: {  	[smem:$0x3FAD] =	sst s0  }
0x9: {  	[smem:$0x3FAE] =	sst s1  }
0xa: {  	[smem:$0x3FAF] =	sst s2  }
0xb: {  	[smem:$0x3FB0] =	sst s3  }
0xc: {  	[smem:$0x3FB1] =	sst s4  }
0xd: {  	[smem:$0x3FB2] =	sst s5  }
0xe: {  	[smem:$0x3FB3] =	sst s6  }
0xf: {  	[smem:$0x3FB4] =	sst s7  }
0x10: {  	[smem:$0x3FB5] =	sst s8  }
0x11: {  	[smem:$0x3FB6] =	sst s9;
	s0 =	simm.s32 @!p0 $0x0  }
0x12: {  	s1 =	sld [smem:$0x3F9C];
	s0 =	simm.s32 @p0 $0x1  }
0x13: {  	[smem:$0x3FB7] =	sst s0;
	s0 =	simm.s32 @!p1 $0x0  }
0x14: {  	s2 =	sld [smem:$0x3F9B];
	s0 =	simm.s32 @p1 $0x1  }
0x15: {  	[smem:$0x3FB8] =	sst s0;
	s0 =	simm.s32 @!p2 $0x0  }
0x16: {  	s3 =	sld [smem:$0x3FDB];
	s0 =	simm.s32 @p2 $0x1  }
0x17: {  	s4 =	simm.s32 $0x1BF5;
	[smem:$0x3FBA] =	sst s0  }
0x18: {  	s0 =	sld [smem:$0x3F9D];
	_ =	swait.ge [sflag:s4], $0x0  }
0x19: {  	s7 =	sld [smem:$0x3F9E]  }
0x1a: {  	s8 =	sadd.s32 $0xFFFFE003, lr  }
0x1b: {  	s9 =	sadd.s32 $0xFFFFFEF7, lr;
	s5 =	simm.s32 $0xFFFFFFFF;
	p2 =	slt.u32 s8, $0xFFFFF086  }
0x1c: {  	p1 =	slt.u32 s9, $0xF7A;
	s5 =	simm.s32 @!p2 $0x0  }
0x1d: {  	s5 =	simm.s32 @p1 $0x1;
	p0 =	seq.s32 s7, s2  }
0x1e: {  	s7 =	smul.u32 @!p0 $0xF7A, s2;
	p2 =	seq.s32 @!p0 s5, $0x0  }
0x1f: {  	s9 =	smul.u32 $0xF7A, s1;
	s8 =	simm.s32 @!p0 $0x1BF5;
	p2 =	por !p2, p0  }
0x20: {  	[sflag:s8] =	ssyncset.s32 @!p0 $0xFFFFF086;
	s6 =	sadd.s32 @!p0 s3, s7;
	s7 =	simm.s32 @!p0 $0x108  }
0x21: {  	s3 =	sadd.s32 s3, s9;
	s6 =	sadd.s32 @!p0 $0x88, s6;
	s7 =	simm.s32 @p2 $0x1082  }
0x22: {  	[simem:s7], [sflag:s8] =	dma.local @!p0 [hbm:s6], $0xF7A  }
0x23: {  	s9 =	sor.u32 $0xD0000000, s2;
	s6 =	simm.s32 $0x108;
	_ =	swait.ge @!p0 [sflag:s8], $0x0  }
0x24: {  	s3 =	sadd.s32 $0x88, s3;
	s6 =	simm.s32 @!p1 $0x1082;
	[sflag:s4] =	ssyncset.s32 $0xFFFFF086  }
0x25: {  	[simem:s6], [sflag:s4] =	dma.local [hbm:s3], $0xF7A  }
0x26: {  	[smem:$0x3F9E] =	sst s1;
	(tag) =	ssettag s2;
	_ =	strace s9  }
0x27: {  	s1 =	sld [smem:$0x3FAE]  }
0x28: {  	s2 =	sld [smem:$0x3FAF]  }
0x29: {  	s4 =	sld [smem:$0x3FB1]  }
0x2a: {  	p0 =	seq.s32 s5, $0x0;
	s5 =	sld [smem:$0x3FB2]  }
0x2b: {  	s6 =	sld [smem:$0x3FB3]  }
0x2c: {  	s7 =	sld [smem:$0x3FB4]  }
0x2d: {  	s3 =	simm.s32 $0x108;
	s8 =	sld [smem:$0x3FB5]  }
0x2e: {  	s3 =	simm.s32 @!p0 $0x1082;
	s9 =	sld [smem:$0x3FB6]  }
0x2f: {  	lr =	sadd.s32 s0, s3;
	s0 =	sld [smem:$0x3FAD]  }
0x30: {  	s3 =	sld [smem:$0x3FB0]  }
0x31: {  	[smem:$0x3FB9] =	sst s10  }
0x32: {  	s10 =	sld [smem:$0x3FB7];
	_ =	sdelay $0x3  }
0x33: {  	p0 =	seq.s32 s10, $0x1;
	s10 =	sld [smem:$0x3FB9];
	_ =	sdelay $0x3  }
0x34: {  	[smem:$0x3FB9] =	sst s10  }
0x35: {  	s10 =	sld [smem:$0x3FB8];
	_ =	sdelay $0x3  }
0x36: {  	p1 =	seq.s32 s10, $0x1;
	s10 =	sld [smem:$0x3FB9];
	_ =	sdelay $0x3  }
0x37: {  	[smem:$0x3FB9] =	sst s10  }
0x38: {  	s10 =	sld [smem:$0x3FBA]  }
0x39: {  	_ = 	snop;
	(pc) =	sbr.ind lr, $3  }
0x3a: {  	_ = 	snop  }
0x3b: {  	_ = 	snop  }
0x3c: {  	p2 =	seq.s32 s10, $0x1;
	s10 =	sld [smem:$0x3FB9]  }
0x3d: {  	_ =	shalt  }
0x3e: {  	_ =	shalt  }
0x3f: {  	_ =	shalt  }
0x40: {  	_ =	shalt  }
0x41: {  	_ =	shalt  }
0x42: {  	_ =	shalt  }
0x43: {  	_ =	shalt  }
0x44: {  	_ =	shalt  }
0x45: {  	_ =	shalt  }
0x46: {  	_ =	shalt  }
0x47: {  	_ =	shalt  }
0x48: {  	_ =	shalt  }
0x49: {  	_ =	shalt  }
0x4a: {  	_ =	shalt  }
0x4b: {  	_ =	shalt  }
0x4c: {  	_ =	shalt  }
0x4d: {  	_ =	shalt  }
0x4e: {  	_ =	shalt  }
0x4f: {  	_ =	shalt  }
0x50: {  	_ =	shalt  }
0x51: {  	_ =	shalt  }
0x52: {  	_ =	shalt  }
0x53: {  	_ =	shalt  }
0x54: {  	_ =	shalt  }
0x55: {  	_ =	shalt  }
0x56: {  	_ =	shalt  }
0x57: {  	_ =	shalt  }
0x58: {  	_ =	shalt  }
0x59: {  	_ =	shalt  }
0x5a: {  	_ =	shalt  }
0x5b: {  	_ =	shalt  }
0x5c: {  	_ =	shalt  }
0x5d: {  	_ =	shalt  }
0x5e: {  	_ =	shalt  }
0x5f: {  	_ =	shalt  }
0x60: {  	_ =	shalt  }
0x61: {  	_ =	shalt  }
0x62: {  	_ =	shalt  }
0x63: {  	_ =	shalt  }
0x64: {  	_ =	shalt  }
0x65: {  	_ =	shalt  }
0x66: {  	_ =	shalt  }
0x67: {  	_ =	shalt  }
0x68: {  	_ =	shalt  }
0x69: {  	_ =	shalt  }
0x6a: {  	_ =	shalt  }
0x6b: {  	_ =	shalt  }
0x6c: {  	_ =	shalt  }
0x6d: {  	_ =	shalt  }
0x6e: {  	_ =	shalt  }
0x6f: {  	_ =	shalt  }
0x70: {  	_ =	shalt  }
0x71: {  	_ =	shalt  }
0x72: {  	_ =	shalt  }
0x73: {  	_ =	shalt  }
0x74: {  	_ =	shalt  }
0x75: {  	_ =	shalt  }
0x76: {  	_ =	shalt  }
0x77: {  	_ =	shalt  }
0x78: {  	_ =	shalt  }
0x79: {  	_ =	shalt  }
0x7a: {  	_ =	shalt  }
0x7b: {  	_ =	shalt  }
0x7c: {  	_ =	shalt  }
0x7d: {  	_ =	shalt  }
0x7e: {  	_ =	shalt  }
0x7f: {  	_ =	shalt  }
0x80: {  	_ =	shalt  }
0x81: {  	_ =	shalt  }
0x82: {  	_ =	shalt  }
0x83: {  	_ =	shalt  }
0x84: {  	_ =	shalt  }
0x85: {  	_ =	shalt  }
0x86: {  	_ =	shalt  }
0x87: {  	_ =	shalt  }
.Lfunc_end0:
.L_simem_size_0:
called_computation_lowered:
.L_overlay_start_0:
0x88: {  	s2 =	sld [smem:$0x3FD9]  }
0x89: {  	s3 =	sld [smem:$0x3FFE];
	_ =	sdelay $0x1  }
0x8a: {  	s1 =	srdreg.scid  }
0x8b: {  	s0 =	sand.u32 $0x1, s1  }
0x8c: {  	s16 =	sshll.u32 s0, $0xA;
	s2 =	sadd.s32 s3, s2  }
0x8d: {  	s2 =	sadd.s32 s2, s16  }
0x8e: {  	[smem:$0x3FC5] =	sst s2  }
0x8f: {  	_ = 	snop  }
0x90: {  	(tm) =	ssettm $0x1  }
0x91: {  	s17 =	sld [smem:$0x3FFB];
	_ =	sdelay $0x3  }
0x92: {  	_ =	strace s17  }
0x93: {  	s2 =	sld [smem:$0x3FFC];
	_ =	sdelay $0x3  }
0x94: {  	_ =	strace s2  }
0x95: {  	s2 =	sld [smem:$0x3FFD];
	_ =	sdelay $0x3  }
0x96: {  	_ =	strace s2  }
0x97: {  	_ =	strace $0x8FFFFFFF  }
0x98: {  	s18 =	sld [smem:$0x3FDB];
	_ =	sdelay $0x1  }
0x99: {  	s19 =	simm.s32 $_scs_section_size  }
0x9a: {  	s4 =	simm.s32 $_size__tile_overlayer_lowered;
	s5 =	simm.s32 $_tile_overlayer_lowered  }
0x9b: {  	s22 =	simm.s32 $0x1BFF;
	s21 =	sshll.u32 s5, $0x1;
	s2 =	sadd.s32 s19, s18  }
0x9c: {  	s6 =	simm.s32 $0x0;
	s20 =	sshll.u32 s4, $0x1;
	s4 =	sadd.s32 s21, s2  }
0x9d: {  	[timem:s6], [sflag:s22] =	dma.local [hbm:s4], s20  }
0x9e: {  	_ =	swait.ge [sflag:s22], s20  }
0x9f: {  	s3 =	ssub.s32 $0x0, s20;
	[sflag:s22] =	ssyncset.done $0x0  }
0xa0: {  	[sflag:s22] =	ssyncadd.s32 s3;
	_ =	sdelay $0x1  }
0xa1: {  	s23 =	simm.s32 $0x1B8B  }
0xa2: {  	_ =	swait.ge [sflag:s23], $0x1  }
0xa3: {  	[sflag:s23] =	ssyncset.done $0x0  }
0xa4: {  	s25 =	simm.s32 $0x1B8E;
	s24 =	sld [smem:$0x3FFE];
	[sflag:s23] =	ssyncadd.s32 $0xFFFFFFFF  }
0xa5: {  	s26 =	simm.s32 $execute0_lowered;
	[smem:$0x3FD2] =	sst s25  }
0xa6: {  	s4 =	sshll.u32 s26, $0x1;
	_ =	strace $0x80000046;
	[dreg:$0x1] =	wrdreg $0xFFFFFFFF  }
0xa7: {  	s28 =	simm.s32 $_size_execute0_lowered;
	s2 =	sadd.s32 s2, s4;
	[dreg:$0x0] =	wrdreg $0x0  }
0xa8: {  	s4 =	sshll.u32 s28, $0x1;
	[dreg:$0x2] =	wrdreg s2  }
0xa9: {  	[dreg:$0x3] =	wrdreg s4  }
0xaa: {  	[dreg:$0x4] =	wrdreg $0xC0  }
0xab: {  	_ =	task [dreg:s6], $0x5FFFF  }
0xac: {  	[dreg:$0x1] =	wrdreg $0xFFFFFFFF  }
0xad: {  	[dreg:$0x0] =	wrdreg $0x60  }
0xae: {  	[dreg:$0x2] =	wrdreg s24  }
0xaf: {  	[dreg:$0x3] =	wrdreg $0x9  }
0xb0: {  	_ =	task.clear_ibuf [dreg:s6], $0x4FFFF;
	_ =	strace $0x90000046  }
0xb1: {  	s29 =	simm.s32 $0x9;
	_ =	strace $0x80000048  }
0xb2: {  	_ =	swait.ge [sflag:s29], $0x1  }
0xb3: {  	[sflag:s29] =	ssyncadd.s32 $0xFFFFFFFF  }
0xb4: {  	_ =	strace $0x90000048  }
0xb5: {  	_ =	sfence  }
0xb6: {  	s30 =	sld [smem:$0x0];
	_ =	sdelay $0x2  }
0xb7: {  	s31 =	sshll.u32 s1, $0xD;
	s1 =	sshrl.u32 s1, $0x2  }
0xb8: {  	s3 =	sand.u32 $0x4000, s31;
	s1 =	sadd.s32 s1, s30  }
0xb9: {  	s0 =	sor.u32 s3, s0;
	s1 =	sshll.u32 s1, $0x11  }
0xba: {  	s0 =	sor.u32 s1, s0  }
0xbb: {  	s0 =	sadd.s32 $0x8F2B, s0  }
0xbc: {  	[sflag:s0] =	ssyncadd.remote.s32 $0x1  }
0xbd: {  	_ =	sfence.sel $0xFFFF  }
0xbe: {  	[dreg:$0x0] =	wrdreg $0xFFFFFFFF;
	(pc) =	sbr.abs _section_cstart, $3  }
0xbf: {  	[dreg:$0x1] =	wrdreg $0xFFFFFFFF  }
0xc0: {  	_ =	task.clear_ibuf [dreg:s6], $0x2FFFF;
	_ =	strace $0x9FFFFFFF  }
0xc1: {  	(tm) =	ssettm $0x7FFFFFFF  }
tec
execute0_lowered:
.L_overlay_start_1:
0x0: {  	(tag) =	ssettag $0x1  }
0x1: {  	s1 =	srdreg.scid;
	s0 =	stileid.u32  }
0x2: {  	s3 =	rddreg [dreg:$0x0];
	s2 =	simm.s32 $0x0;
	s11 =	simm.s32 $0x8000  }
0x3: {  	s12 =	simm.s32 $0x1;
	s13 =	simm.s32 $0x2;
	s14 =	simm.s32 $0x1A680  }
0x4: {  	s4 =	sand.u32 $0x1, s1;
	s5 =	sshll.u32 s0, $0x1;
	s1 =	rddreg [dreg:$0x1]  }
0x5: {  	s15 =	simm.s32 $0x0;
	[smem:$0x7FF] =	sst s2;
	s5 =	sor.u32 s4, s5  }
0x6: {  	_ =	strace $0x80000047;
	s4 =	ssub.s32 $0x2, s4;
	s6 =	sshll.u32 s5, $0xC  }
0x7: {  	s7 =	smul.u32 $0x1880, s5;
	s5 =	sshll.u32 s5, $0x4;
	s8 =	sshrl.u32 s4, $0x1  }
0x8: {  	s6 =	sadd.s32 s6, s3;
	s9 =	sadd.s32 s5, s3;
	s10 =	ssub.s32 s4, s8  }
0x9: {  	v0 =	vimm.f32 $0.0e+00;
	v5 =	vimm.f32 $1.192093040e-07;
	s7 =	sadd.s32 s7, s3;
	s5 =	sadd.s32 $0xC00, s6;
	s8 =	sadd.s32 $0x20C00, s9  }
0xa: {  	v3 =	vlaneseq.u32;
	v1 =	vimm.s32 $0x1;
	v6 =	vimm.f32 $1.611809540e+01;
	s9 =	smax.u32 s10, $0x1;
	s3 =	sadd.s32 $0x100C10, s7;
	s4 =	sadd.s32 $0x100C00, s7  }
0xb: {  	v2 =	vimm.s32 $0x1C;
	v4 =	vimm.f32 $1.000000000e+00;
	v3 =	vmul.u32 $0x311, v3;
	s10 =	simm.s32 $0x3;
	s6 =	sadd.s32 $0x100C20, s7;
	s7 =	sadd.s32 $0x100C30, s7  }
.LBB2_1:
0xc: {  	s16 =	simm.s32 $0x14480  }
0xd: {  	s17 =	simm.s32 $0x40;
	s19 =	sadd.s32 $0x0, s4;
	s18 =	simm.s32 $0x14580  }
.LBB2_2:
0xe: {  	[tilespmem:s16], [sflag:$0x1] =	stream.linear.gather [hbm4b:s19+s2], $0x80, $0x38;
	[tilespmem:$0x1A700] =	vst v63  }
0xf: {  	s19 =	smov.u32 s17;
	s16 =	smov.u32 s18;
	p0 =	sne.s32 s17, $0x1840  }
.Ltmp0:
0x10: {  	s17 =	sadd.s32 $0x40, s17;
	(pc) =	sbr.rel @p0 .LBB2_2-.Ltmp0, $2  }
0x11: {  	_ =	sdelay $0x2  }
0x12: {  	s18 =	sadd.s32 $0x100, s18;
	s19 =	sadd.s32 s19, s4  }
0x13: {  	[tilespmem:s16], [sflag:$0x1] =	stream.linear.gather [hbm4b:s19+s2], $0x80, $0x38;
	[tilespmem:$0x1A700] =	vst v63  }
0x14: {  	s16 =	simm.s32 $0x14500  }
0x15: {  	s17 =	simm.s32 $0x40;
	s19 =	sadd.s32 $0x0, s3;
	s18 =	simm.s32 $0x14600  }
.LBB2_4:
0x16: {  	[tilespmem:s16], [sflag:$0x2] =	stream.linear.gather [hbm4b:s19+s2], $0x80, $0x38;
	[tilespmem:$0x1A700] =	vst v63  }
0x17: {  	s19 =	smov.u32 s17;
	s16 =	smov.u32 s18;
	p0 =	sne.s32 s17, $0x1840  }
.Ltmp1:
0x18: {  	s17 =	sadd.s32 $0x40, s17;
	(pc) =	sbr.rel @p0 .LBB2_4-.Ltmp1, $2  }
0x19: {  	_ =	sdelay $0x2  }
0x1a: {  	s18 =	sadd.s32 $0x100, s18;
	s19 =	sadd.s32 s19, s3  }
0x1b: {  	[tilespmem:s16], [sflag:$0x2] =	stream.linear.gather [hbm4b:s19+s2], $0x80, $0x38;
	[tilespmem:$0x1A700] =	vst v63  }
0x1c: {  	s31 =	simm.s32 $0x0  }
0x1d: {  	[tilespmem:s31], [sflag:$0x3] =	stream.linear.gather [hbm4b:s5+s31], $0x8000, $0x38;
	[tilespmem:$0x1A700] =	vst v63  }
0x1e: {  	_ =	swait.ge [sflag:s10], $0x8000  }
0x1f: {  	[sflag:s10] =	ssyncset.done $0x0  }
0x20: {  	s16 =	simm.s32 $0x0;
	s17 =	simm.s32 $0x400;
	[sflag:s10] =	ssyncadd.s32 $0xFFFF8000  }
.LBB2_6:
0x21: {  	p0 =	sne.s32 s17, $0x30C00;
	[tilespmem:s16+$0x80F0] =	vst v0  }
0x22: {  	[tilespmem:s16+$0x8000] =	vst v0  }
0x23: {  	[tilespmem:s16+$0x8010] =	vst v0  }
0x24: {  	[tilespmem:s16+$0x8020] =	vst v0  }
0x25: {  	[tilespmem:s16+$0x8030] =	vst v0  }
0x26: {  	[tilespmem:s16+$0x8040] =	vst v0  }
0x27: {  	[tilespmem:s16+$0x8050] =	vst v0  }
0x28: {  	[tilespmem:s16+$0x8060] =	vst v0  }
0x29: {  	[tilespmem:s16+$0x8070] =	vst v0  }
0x2a: {  	[tilespmem:s16+$0x8080] =	vst v0  }
0x2b: {  	[tilespmem:s16+$0x8090] =	vst v0  }
.Ltmp2:
0x2c: {  	[tilespmem:s16+$0x80A0] =	vst v0;
	(pc) =	sbr.rel @p0 .LBB2_6-.Ltmp2, $4  }
0x2d: {  	[tilespmem:s16+$0x80B0] =	vst v0  }
0x2e: {  	[tilespmem:s16+$0x80C0] =	vst v0  }
0x2f: {  	[tilespmem:s16+$0x80D0] =	vst v0  }
0x30: {  	[tilespmem:s16+$0x80E0] =	vst v0;
	s16 =	sshra.s32 s17, $0x2;
	s17 =	sadd.s32 $0x400, s17  }
0x31: {  	[tilespmem:s16+$0x80F0] =	vst v0  }
0x32: {  	[tilespmem:s16+$0x8000] =	vst v0  }
0x33: {  	[tilespmem:s16+$0x8010] =	vst v0  }
0x34: {  	[tilespmem:s16+$0x8020] =	vst v0  }
0x35: {  	[tilespmem:s16+$0x8030] =	vst v0  }
0x36: {  	[tilespmem:s16+$0x8040] =	vst v0  }
0x37: {  	[tilespmem:s16+$0x8050] =	vst v0  }
0x38: {  	[tilespmem:s16+$0x8060] =	vst v0  }
0x39: {  	[tilespmem:s16+$0x8070] =	vst v0  }
0x3a: {  	[tilespmem:s16+$0x8080] =	vst v0  }
0x3b: {  	[tilespmem:s16+$0x8090] =	vst v0  }
0x3c: {  	[tilespmem:s16+$0x80A0] =	vst v0  }
0x3d: {  	[tilespmem:s16+$0x80B0] =	vst v0  }
0x3e: {  	[tilespmem:s16+$0x80C0] =	vst v0  }
0x3f: {  	[tilespmem:s16+$0x80D0] =	vst v0  }
0x40: {  	[tilespmem:s16+$0x80E0] =	vst v0  }
0x41: {  	[tilespmem:$0x14400] =	vst v0  }
0x42: {  	[tilespmem:$0x14410] =	vst v0  }
0x43: {  	[tilespmem:$0x14420] =	vst v0  }
0x44: {  	s16 =	simm.s32 $0x0;
	[tilespmem:$0x14430] =	vst v0  }
.LBB2_8:
0x45: {  	s17 =	sshll.u32 s16, $0x8  }
0x46: {  	s17 =	sand.u32 $0x3FFFFF00, s17  }
0x47: {  	s18 =	sor.u32 $0x80, s17;
	s19 =	sadd.s32 $0x100, s17;
	s20 =	sadd.s32 $0x180, s17;
	v7 =	vmov s17  }
0x48: {  	s17 =	simm.s32 $0x0;
	v8 =	vmov s18;
	v9 =	vmov s19;
	v10 =	vmov s20  }
.LBB2_9:
0x49: {  	_ =	sdelay $0x2  }
0x4a: {  	s18 =	sshll.u32 s17, $0x4  }
0x4b: {  	v11 =	vld.idx.msk [tilespmem:v7+s18+$0x0 ss:$0x1], $0xffff  }
0x4c: {  	v12 =	vld.idx.msk [tilespmem:v8+s18+$0x0 ss:$0x1], $0xffff  }
0x4d: {  	v13 =	vld.idx.msk [tilespmem:v9+s18+$0x0 ss:$0x1], $0xffff  }
0x4e: {  	v14 =	vld.idx.msk [tilespmem:v10+s18+$0x0 ss:$0x1], $0xffff;
	_ =	sdelay $0x3  }
0x4f: {  	v11 =	vmul.f32 $2.700000000e+01, v11;
	v12 =	vmul.f32 $2.700000000e+01, v12  }
0x50: {  	v13 =	vmul.f32 $2.700000000e+01, v13;
	v14 =	vmul.f32 $2.700000000e+01, v14  }
0x51: {  	v11 =	vtrunc.f32 v11;
	v12 =	vtrunc.f32 v12  }
0x52: {  	v15 =	vcvt.f32.s32 v11;
	v12 =	vcvt.f32.s32 v12  }
0x53: {  	v11 =	vtrunc.f32 v13;
	v13 =	vtrunc.f32 v14  }
0x54: {  	v14 =	vcvt.f32.s32 v11;
	v13 =	vcvt.f32.s32 v13;
	_ =	sdelay $0x1  }
0x55: {  	v11 =	vsub.s32 v13, v12;
	v16 =	vsub.s32 v14, v15  }
0x56: {  	v17 =	vsub.s32 $0x0, v11;
	v18 =	vsub.s32 $0x0, v16  }
0x57: {  	v11 =	vmin.u32 v11, v17;
	v16 =	vmin.u32 v16, v18  }
0x58: {  	vm0 =	vgt.s32 v11, v16  }
0x59: {  	v16 =	vsel vm0, v12, v15;
	v17 =	vsel vm0, v13, v14  }
0x5a: {  	vm1 =	vgt.s32 v16, v17;
	v11 =	vsub.s32 v17, v16;
	v18 =	vsub.s32 v16, v17  }
0x5b: {  	v11 =	vsel vm1, v18, v11  }
0x5c: {  	vm2 =	vgt.s32 v11, $0x1  }
0x5d: {  	v18 =	vnsel vm2, $0x1, v11  }
0x5e: {  	v18 =	vcvt.s32.f32 v18  }
0x5f: {  	v12 =	vsel vm0, v15, v12;
	v13 =	vsel vm0, v14, v13  }
0x60: {  	v14 =	vsel vm1, v13, v12;
	v12 =	vsel vm1, v12, v13;
	(erf) = vrcp.f32 v18  }
0x61: {  	v13 =	vsub.s32 v12, v14  }
0x62: {  	s25 =	simm.s32 $0x4;
	v15 =	vsub.s32 $0x0, v13;
	v18 =	vmov s18  }
0x63: {  	v24 =	vmov s25;
	v13 =	vmin.u32 v13, v15;
	v15 =	vmul.u32 $0x311, v18  }
0x64: {  	v16 =	vsel vm1, v17, v16;
	vm1 =	vgt.s32 v12, v14;
	v12 =	vsel vm0, $0x1C, v1  }
0x65: {  	v16 =	vmul.u32 v12, v16;
	v18 =	vsel vm0, $0x1, v2;
	v15 =	vbroadcast v15, $0x0  }
0x66: {  	s30 =	simm.s32 $0x0;
	s20 =	simm.s32 $0x1;
	vm3 =	vle.s32 v24, v11;
	v19 =	vmul.u32 v18, v14  }
0x67: {  	s19 =	simm.s32 $0x3;
	v21 =	vmul.u32 s30, v12;
	v22 =	vmul.u32 s20, v12;
	v15 =	vadd.s32 v16, v15  }
0x68: {  	s26 =	simm.s32 $0x5;
	v23 =	vmul.u32 s19, v12;
	v13 =	vcvt.s32.f32 v13;
	v15 =	vadd.s32 v19, v15  }
0x69: {  	v25 =	vmul.u32 s25, v12;
	v26 =	vmul.u32 s26, v12;
	v15 =	vadd.s32 v3, v15;
	v17 =	vpop (erf)  }
0x6a: {  	s24 =	simm.s32 $0x2;
	s21 =	scvt.s32.f32 s19;
	s22 =	scvt.s32.f32 s30;
	v21 =	vadd.s32 v15, v21;
	v22 =	vadd.s32 v15, v22;
	v13 =	vmul.f32 v13, v17  }
0x6b: {  	s23 =	scvt.s32.f32 s20;
	s31 =	scvt.s32.f32 s24;
	s18 =	simm.s32 $0x7;
	v23 =	vadd.s32 v15, v23;
	v25 =	vadd.s32 v15, v25;
	v17 =	vsub.s32 $0x0, v18  }
0x6c: {  	s28 =	scvt.s32.f32 s18;
	v14 =	vsel vm1, v18, v17;
	v16 =	vmul.f32 s21, v13;
	v17 =	vmul.f32 s22, v13  }
0x6d: {  	s29 =	scvt.s32.f32 s25;
	v18 =	vmov s30;
	s30 =	scvt.s32.f32 s26;
	v19 =	vmul.f32 s23, v13;
	v20 =	vmul.f32 s31, v13  }
0x6e: {  	vm0 =	vle.s32 v18, v11;
	v61 =	vmul.f32 s28, v13;
	v17 =	vadd.f32 $1.953125000e-03, v17  }
0x6f: {  	v27 =	vmul.f32 s29, v13;
	vm2 =	vmmov vm0;
	v28 =	vmul.f32 s30, v13  }
0x70: {  	v16 =	vadd.f32 $1.953125000e-03, v16;
	v19 =	vadd.f32 $1.953125000e-03, v19;
	v17 =	vtrunc.f32 v17  }
0x71: {  	v20 =	vadd.f32 $1.953125000e-03, v20;
	v24 =	vadd.f32 $1.953125000e-03, v61;
	v17 =	vcvt.f32.s32 v17  }
0x72: {  	v27 =	vadd.f32 $1.953125000e-03, v27;
	v28 =	vadd.f32 $1.953125000e-03, v28;
	v18 =	vtrunc.f32 v19  }
0x73: {  	v16 =	vtrunc.f32 v16;
	v18 =	vcvt.f32.s32 v18;
	v17 =	vmul.u32 v17, v14  }
0x74: {  	v19 =	vmov s20;
	v20 =	vtrunc.f32 v20;
	v16 =	vcvt.f32.s32 v16  }
0x75: {  	v18 =	vmul.u32 v18, v14;
	v21 =	vadd.s32 v17, v21;
	v17 =	vmov s24  }
0x76: {  	v20 =	vcvt.f32.s32 v20;
	vm1 =	vle.s32 v17, v11;
	v17 =	vmov s19;
	s19 =	simm.s32 $0x6  }
0x77: {  	v16 =	vmul.u32 v16, v14;
	v22 =	vadd.s32 v18, v22;
	v18 =	vmul.u32 s24, v12;
	s31 =	scvt.s32.f32 s19  }
0x78: {  	vm4 =	vle.s32 v19, v11;
	v20 =	vmul.u32 v20, v14;
	vm0 =	vle.s32 v17, v11  }
0x79: {  	v17 =	vadd.s32 v16, v23;
	v18 =	vadd.s32 v15, v18;
	v23 =	vmul.f32 s31, v13  }
0x7a: {  	v62 =	vtrunc.f32 v28;
	v63 =	vadd.s32 v20, v18;
	v18 =	vtrunc.f32 v24  }
0x7b: {  	v20 =	vmul.u32 s18, v12;
	v19 =	vadd.f32 $1.953125000e-03, v23;
	v23 =	vtrunc.f32 v27  }
0x7c: {  	v26 =	vadd.s32 v15, v26;
	v27 =	vcvt.f32.s32 v62;
	v23 =	vcvt.f32.s32 v23  }
0x7d: {  	v16 =	vmov s26;
	v24 =	vcvt.f32.s32 v18;
	[tilespmem:v21+s11+$0x0] =	vst.idx.msk vm2, v4;
	v21 =	vadd.s32 v15, v20  }
0x7e: {  	[tilespmem:v22+s11+$0x0] =	vst.idx.msk vm4, v4;
	v19 =	vtrunc.f32 v19;
	v18 =	vmul.u32 v23, v14;
	v23 =	vmul.u32 v27, v14  }
0x7f: {  	v22 =	vmul.u32 v24, v14;
	[tilespmem:v63+s11+$0x0] =	vst.idx.msk vm1, v4;
	vm1 =	vmmov vm3;
	v20 =	vcvt.f32.s32 v19  }
0x80: {  	s20 =	simm.s32 $0xB;
	v19 =	vadd.s32 v18, v25;
	v18 =	vadd.s32 v23, v26;
	v23 =	vmov s19  }
.LBB2_10:
0x81: {  	s21 =	sadd.s32 $0xFFFFFFFD, s20  }
0x82: {  	s22 =	sadd.s32 $0xFFFFFFFE, s20;
	s23 =	scvt.s32.f32 s20;
	vm2 =	vle.s32 v23, v11;
	v23 =	vmul.u32 s19, v12;
	v24 =	vmov s18;
	[tilespmem:v17+s11+$0x0] =	vst.idx.msk vm0, v4;
	s18 =	smov.u32 s20  }
0x83: {  	s19 =	sadd.s32 $0xFFFFFFFF, s20;
	v17 =	vmov s21;
	s24 =	scvt.s32.f32 s21;
	v25 =	vmul.u32 s21, v12;
	s21 =	scvt.s32.f32 s22;
	v26 =	vmul.u32 s22, v12  }
0x84: {  	p0 =	sne.s32 s20, $0x1B;
	s20 =	sadd.s32 $0x4, s20;
	s25 =	scvt.s32.f32 s19;
	vm0 =	vle.s32 v24, v11;
	vm3 =	vle.s32 v17, v11;
	v27 =	vmul.f32 s23, v13  }
0x85: {  	v17 =	vadd.s32 v22, v21;
	v24 =	vmul.f32 s24, v13;
	v28 =	vmul.f32 s21, v13  }
0x86: {  	v21 =	vmov s22;
	v22 =	vmul.f32 s25, v13;
	v27 =	vadd.f32 $1.953125000e-03, v27  }
0x87: {  	vm4 =	vle.s32 v16, v11;
	v16 =	vmovc v21;
	v24 =	vadd.f32 $1.953125000e-03, v24;
	v28 =	vadd.f32 $1.953125000e-03, v28  }
0x88: {  	v20 =	vmul.u32 v20, v14;
	v21 =	vadd.f32 $1.953125000e-03, v22;
	v22 =	vtrunc.f32 v27  }
0x89: {  	v23 =	vadd.s32 v15, v23;
	v24 =	vtrunc.f32 v24;
	v27 =	vtrunc.f32 v28  }
0x8a: {  	v28 =	vadd.s32 v20, v23;
	v24 =	vcvt.f32.s32 v24;
	v27 =	vcvt.f32.s32 v27  }
.Ltmp3:
0x8b: {  	v20 =	vtrunc.f32 v21;
	v22 =	vcvt.f32.s32 v22;
	v21 =	vmul.u32 s18, v12;
	(pc) =	sbr.rel @p0 .LBB2_10-.Ltmp3, $4  }
0x8c: {  	v20 =	vcvt.f32.s32 v20;
	v23 =	vmul.u32 v24, v14;
	v24 =	vmul.u32 v27, v14;
	[tilespmem:v19+s11+$0x0] =	vst.idx.msk vm1, v4  }
0x8d: {  	v21 =	vadd.s32 v15, v21;
	v19 =	vadd.s32 v15, v25;
	v25 =	vadd.s32 v15, v26  }
0x8e: {  	v19 =	vadd.s32 v23, v19;
	v23 =	vmov s19;
	[tilespmem:v18+s11+$0x0] =	vst.idx.msk vm4, v4;
	v18 =	vadd.s32 v24, v25  }
0x8f: {  	v22 =	vmul.u32 v22, v14;
	vm1 =	vmmov vm3;
	[tilespmem:v28+s11+$0x0] =	vst.idx.msk vm2, v4  }
0x90: {  	v12 =	vmul.u32 s19, v12  }
0x91: {  	vm2 =	vle.s32 v16, v11;
	v13 =	vmul.u32 v20, v14  }
0x92: {  	vm3 =	vle.s32 v23, v11;
	v62 =	vmov s18;
	v12 =	vadd.s32 v15, v12  }
0x93: {  	s17 =	sadd.s32 $0x1, s17;
	vm4 =	vle.s32 v62, v11;
	v11 =	vadd.s32 v13, v12  }
0x94: {  	v63 =	vadd.s32 v22, v21;
	p0 =	sne.s32 s17, $0x4  }
.Ltmp4:
0x95: {  	[tilespmem:v17+s11+$0x0] =	vst.idx.msk vm0, v4;
	(pc) =	sbr.rel @p0 .LBB2_9-.Ltmp4, $4  }
0x96: {  	[tilespmem:v19+s11+$0x0] =	vst.idx.msk vm1, v4  }
0x97: {  	[tilespmem:v18+s11+$0x0] =	vst.idx.msk vm2, v4  }
0x98: {  	[tilespmem:v11+s11+$0x0] =	vst.idx.msk vm3, v4  }
0x99: {  	[tilespmem:v63+s11+$0x0] =	vst.idx.msk vm4, v4  }
0x9a: {  	s16 =	sadd.s32 $0x1, s16  }
0x9b: {  	p0 =	sne.s32 s16, $0x7F  }
.Ltmp5:
0x9c: {  	_ = 	snop;
	(pc) =	sbr.rel @p0 .LBB2_8-.Ltmp5, $1  }
0x9d: {  	_ =	sdelay $0x3  }
0x9e: {  	_ =	swait.ge [sflag:s12], $0x3100  }
0x9f: {  	s16 =	simm.s32 $0x60;
	s17 =	simm.s32 $0x0;
	[sflag:s12] =	ssyncset.done $0x0  }
0xa0: {  	v8 =	vimm.f32 $0.0e+00;
	s18 =	simm.s32 $0x8030;
	v7 =	vimm.f32 $0.0e+00;
	s19 =	simm.s32 $0x0;
	[sflag:s12] =	ssyncadd.s32 $0xFFFFCF00  }
.LBB2_14:
0xa1: {  	s21 =	sadd.s32 $0xFFFFFFA0, s16;
	s20 =	sadd.s32 $0x0, s17  }
0xa2: {  	v9 =	vld [tilespmem:s18+$0xFFFFFFD0];
	s21 =	sand.u32 $0x70, s21;
	s22 =	sand.u32 $0xFF00, s20  }
0xa3: {  	s21 =	sor.u32 s21, s22  }
0xa4: {  	v10 =	vld [tilespmem:s21+$0x14480]  }
0xa5: {  	s28 =	sadd.s32 $0xFFFFFFB0, s16;
	s29 =	sadd.s32 $0x20, s20  }
0xa6: {  	v11 =	vld [tilespmem:s18+$0xFFFFFFE0];
	s22 =	sand.u32 $0xFF00, s29;
	s21 =	sand.u32 $0x70, s28  }
0xa7: {  	s21 =	sor.u32 s21, s22;
	vm0 =	vgt.f32 v9, $5.000000000e-01  }
0xa8: {  	v13 =	vld [tilespmem:s21+$0x14480];
	v9 =	vsel vm0, $0x417F1402, v5;
	v12 =	vsel vm0, $0xC17F1402, v6  }
0xa9: {  	s30 =	sadd.s32 $0xFFFFFFC0, s16;
	s31 =	sadd.s32 $0x40, s20;
	v9 =	vadd.f32 v9, v8;
	v10 =	vmul.f32 v12, v10  }
0xaa: {  	s22 =	sand.u32 $0xFF00, s31;
	s21 =	sand.u32 $0x70, s30;
	v12 =	vld [tilespmem:s18+$0xFFFFFFF0]  }
0xab: {  	vm11 =	vgt.f32 v11, $5.000000000e-01;
	s21 =	sor.u32 s21, s22;
	v9 =	vadd.f32 v10, v9  }
0xac: {  	v11 =	vsel vm11, $0xC17F1402, v6;
	v14 =	vld [tilespmem:s21+$0x14480];
	v10 =	vsel vm11, $0x417F1402, v5  }
0xad: {  	s23 =	sadd.s32 $0xFFFFFFD0, s16;
	s24 =	sadd.s32 $0x60, s20;
	v9 =	vadd.f32 v10, v9;
	v10 =	vmul.f32 v11, v13  }
0xae: {  	s22 =	sand.u32 $0xFF00, s24;
	s21 =	sand.u32 $0x70, s23;
	v11 =	vld [tilespmem:s18+$0x0]  }
0xaf: {  	s21 =	sor.u32 s21, s22;
	vm12 =	vgt.f32 v12, $5.000000000e-01;
	v9 =	vadd.f32 v10, v9  }
0xb0: {  	v13 =	vld [tilespmem:s21+$0x14480];
	v10 =	vsel vm12, $0x417F1402, v5;
	v12 =	vsel vm12, $0xC17F1402, v6  }
0xb1: {  	s25 =	sadd.s32 $0xFFFFFFE0, s16;
	s26 =	sadd.s32 $0x80, s20;
	v9 =	vadd.f32 v10, v9;
	v10 =	vmul.f32 v12, v14  }
0xb2: {  	s22 =	sand.u32 $0xFF00, s26;
	s21 =	sand.u32 $0x70, s25;
	v12 =	vld [tilespmem:s18+$0x10]  }
0xb3: {  	s21 =	sor.u32 s21, s22;
	vm13 =	vgt.f32 v11, $5.000000000e-01;
	v9 =	vadd.f32 v10, v9  }
0xb4: {  	v14 =	vld [tilespmem:s21+$0x14480];
	v10 =	vsel vm13, $0x417F1402, v5;
	v11 =	vsel vm13, $0xC17F1402, v6  }
0xb5: {  	v9 =	vadd.f32 v10, v9;
	v10 =	vmul.f32 v11, v13  }
0xb6: {  	s29 =	sadd.s32 $0xA0, s20;
	s28 =	sadd.s32 $0xFFFFFFF0, s16  }
0xb7: {  	s22 =	sand.u32 $0xFF00, s29;
	s21 =	sand.u32 $0x70, s28;
	v11 =	vld [tilespmem:s18+$0x20];
	vm14 =	vgt.f32 v12, $5.000000000e-01;
	v9 =	vadd.f32 v10, v9  }
0xb8: {  	s21 =	sor.u32 s21, s22;
	v10 =	vsel vm14, $0x417F1402, v5;
	v12 =	vsel vm14, $0xC17F1402, v6  }
0xb9: {  	s20 =	sadd.s32 $0xC0, s20;
	v13 =	vld [tilespmem:s21+$0x14480];
	v9 =	vadd.f32 v10, v9;
	v10 =	vmul.f32 v12, v14  }
0xba: {  	s20 =	sand.u32 $0xFF00, s20;
	s30 =	sand.u32 $0x70, s16  }
0xbb: {  	s31 =	sor.u32 s30, s20;
	s20 =	sadd.s32 $0x70, s16;
	v12 =	vadd.f32 v10, v9;
	v9 =	vld [tilespmem:s18+$0x30]  }
0xbc: {  	s24 =	sadd.s32 $0xFFFFFFA0, s20;
	vm15 =	vgt.f32 v11, $5.000000000e-01  }
0xbd: {  	v11 =	vsel vm15, $0x417F1402, v5;
	v14 =	vsel vm15, $0xC17F1402, v6;
	v10 =	vld [tilespmem:s31+$0x14480]  }
0xbe: {  	s23 =	simm.s32 $0x1C0;
	s22 =	sadd.s32 $0xE0, s17;
	s21 =	sadd.s32 $0x70, s18;
	v11 =	vadd.f32 v11, v12;
	v12 =	vmul.f32 v14, v13  }
.LBB2_15:
0xbf: {  	p0 =	sne.s32 s23, $0x540;
	v13 =	vld [tilespmem:s21+$0xFFFFFFD0];
	s24 =	sand.u32 $0x70, s24;
	s25 =	sand.u32 $0xFF00, s22  }
0xc0: {  	s24 =	sor.u32 s24, s25;
	v11 =	vadd.f32 v12, v11;
	vm0 =	vgt.f32 v9, $5.000000000e-01  }
0xc1: {  	v9 =	vld [tilespmem:s24+$0x14480];
	v12 =	vsel vm0, $0x417F1402, v5;
	v14 =	vsel vm0, $0xC17F1402, v6  }
0xc2: {  	s25 =	sadd.s32 $0x20, s22;
	s24 =	sadd.s32 $0xFFFFFFB0, s20;
	v11 =	vadd.f32 v12, v11;
	v10 =	vmul.f32 v14, v10  }
0xc3: {  	s25 =	sand.u32 $0xFF00, s25;
	s24 =	sand.u32 $0x70, s24;
	v12 =	vld [tilespmem:s21+$0xFFFFFFE0]  }
0xc4: {  	s24 =	sor.u32 s24, s25;
	vm0 =	vgt.f32 v13, $5.000000000e-01;
	v10 =	vadd.f32 v10, v11  }
0xc5: {  	v11 =	vsel vm0, $0x417F1402, v5;
	v13 =	vsel vm0, $0xC17F1402, v6;
	v14 =	vld [tilespmem:s24+$0x14480]  }
0xc6: {  	s25 =	sadd.s32 $0x40, s22;
	s24 =	sadd.s32 $0xFFFFFFC0, s20;
	v10 =	vadd.f32 v11, v10;
	v9 =	vmul.f32 v13, v9  }
0xc7: {  	s25 =	sand.u32 $0xFF00, s25;
	s24 =	sand.u32 $0x70, s24;
	v11 =	vld [tilespmem:s21+$0xFFFFFFF0]  }
0xc8: {  	s24 =	sor.u32 s24, s25;
	v9 =	vadd.f32 v9, v10;
	vm0 =	vgt.f32 v12, $5.000000000e-01  }
0xc9: {  	v10 =	vsel vm0, $0x417F1402, v5;
	v12 =	vsel vm0, $0xC17F1402, v6;
	v13 =	vld [tilespmem:s24+$0x14480]  }
0xca: {  	s25 =	sadd.s32 $0x60, s22;
	s24 =	sadd.s32 $0xFFFFFFD0, s20;
	v9 =	vadd.f32 v10, v9;
	v10 =	vmul.f32 v12, v14  }
0xcb: {  	s25 =	sand.u32 $0xFF00, s25;
	s24 =	sand.u32 $0x70, s24;
	v12 =	vld [tilespmem:s21+$0x0]  }
0xcc: {  	s24 =	sor.u32 s24, s25;
	v9 =	vadd.f32 v10, v9;
	vm0 =	vgt.f32 v11, $5.000000000e-01  }
0xcd: {  	v10 =	vsel vm0, $0x417F1402, v5;
	v11 =	vsel vm0, $0xC17F1402, v6;
	v14 =	vld [tilespmem:s24+$0x14480]  }
0xce: {  	s25 =	sadd.s32 $0x80, s22;
	s24 =	sadd.s32 $0xFFFFFFE0, s20;
	v9 =	vadd.f32 v10, v9;
	v10 =	vmul.f32 v11, v13  }
0xcf: {  	s25 =	sand.u32 $0xFF00, s25;
	s24 =	sand.u32 $0x70, s24;
	v11 =	vld [tilespmem:s21+$0x10]  }
0xd0: {  	s24 =	sor.u32 s24, s25;
	v9 =	vadd.f32 v10, v9;
	vm0 =	vgt.f32 v12, $5.000000000e-01  }
0xd1: {  	v10 =	vsel vm0, $0x417F1402, v5;
	v12 =	vsel vm0, $0xC17F1402, v6;
	v13 =	vld [tilespmem:s24+$0x14480]  }
0xd2: {  	s25 =	sadd.s32 $0xA0, s22;
	s24 =	sadd.s32 $0xFFFFFFF0, s20;
	v9 =	vadd.f32 v10, v9;
	v10 =	vmul.f32 v12, v14  }
0xd3: {  	s25 =	sand.u32 $0xFF00, s25;
	s24 =	sand.u32 $0x70, s24;
	v12 =	vld [tilespmem:s21+$0x20]  }
0xd4: {  	s24 =	sor.u32 s24, s25;
	v9 =	vadd.f32 v10, v9;
	vm0 =	vgt.f32 v11, $5.000000000e-01  }
0xd5: {  	v10 =	vsel vm0, $0x417F1402, v5;
	v11 =	vsel vm0, $0xC17F1402, v6;
	v14 =	vld [tilespmem:s24+$0x14480]  }
.Ltmp6:
0xd6: {  	s22 =	sadd.s32 $0xC0, s22;
	v10 =	vadd.f32 v10, v9;
	v11 =	vmul.f32 v11, v13;
	(pc) =	sbr.rel @p0 .LBB2_15-.Ltmp6, $4  }
0xd7: {  	s22 =	sand.u32 $0xFF00, s22;
	s24 =	sand.u32 $0x70, s20;
	v9 =	vld [tilespmem:s21+$0x30]  }
0xd8: {  	s20 =	sadd.s32 $0x70, s20;
	s22 =	sor.u32 s24, s22;
	s21 =	sadd.s32 $0x70, s21;
	v11 =	vadd.f32 v11, v10;
	vm0 =	vgt.f32 v12, $5.000000000e-01  }
0xd9: {  	v12 =	vsel vm0, $0x417F1402, v5;
	v13 =	vsel vm0, $0xC17F1402, v6;
	v10 =	vld [tilespmem:s22+$0x14480]  }
0xda: {  	s24 =	sadd.s32 $0xFFFFFFA0, s20;
	s22 =	sadd.s32 s23, s17;
	s23 =	sadd.s32 $0xE0, s23;
	v11 =	vadd.f32 v12, v11;
	v12 =	vmul.f32 v13, v14  }
0xdb: {  	v13 =	vld [tilespmem:s21+$0xFFFFFFD0];
	s23 =	sand.u32 $0x70, s24;
	s31 =	sand.u32 $0xFF00, s22  }
0xdc: {  	s23 =	sor.u32 s23, s31;
	v11 =	vadd.f32 v12, v11;
	vm0 =	vgt.f32 v9, $5.000000000e-01  }
0xdd: {  	v9 =	vld [tilespmem:s23+$0x14480];
	v54 =	vsel vm0, $0x417F1402, v5;
	v14 =	vsel vm0, $0xC17F1402, v6  }
0xde: {  	s25 =	sadd.s32 $0xFFFFFFB0, s20;
	s26 =	sadd.s32 $0x20, s22;
	v11 =	vadd.f32 v54, v11;
	v10 =	vmul.f32 v14, v10  }
0xdf: {  	v55 =	vld [tilespmem:s21+$0xFFFFFFE0];
	s24 =	sand.u32 $0xFF00, s26;
	s23 =	sand.u32 $0x70, s25  }
0xe0: {  	s23 =	sor.u32 s23, s24;
	vm9 =	vgt.f32 v13, $5.000000000e-01;
	v10 =	vadd.f32 v10, v11  }
0xe1: {  	v56 =	vld [tilespmem:s23+$0x14480];
	v11 =	vsel vm9, $0x417F1402, v5;
	v13 =	vsel vm9, $0xC17F1402, v6  }
0xe2: {  	s28 =	sadd.s32 $0xFFFFFFC0, s20;
	s29 =	sadd.s32 $0x40, s22;
	v10 =	vadd.f32 v11, v10;
	v9 =	vmul.f32 v13, v9  }
0xe3: {  	s24 =	sand.u32 $0xFF00, s29;
	s23 =	sand.u32 $0x70, s28;
	v11 =	vld [tilespmem:s21+$0xFFFFFFF0]  }
0xe4: {  	vm10 =	vgt.f32 v55, $5.000000000e-01;
	s23 =	sor.u32 s23, s24;
	v9 =	vadd.f32 v9, v10  }
0xe5: {  	v12 =	vsel vm10, $0xC17F1402, v6;
	v57 =	vld [tilespmem:s23+$0x14480];
	v10 =	vsel vm10, $0x417F1402, v5  }
0xe6: {  	s30 =	sadd.s32 $0xFFFFFFD0, s20;
	s31 =	sadd.s32 $0x60, s22;
	v9 =	vadd.f32 v10, v9;
	v10 =	vmul.f32 v12, v56  }
0xe7: {  	v58 =	vld [tilespmem:s21+$0x0];
	s24 =	sand.u32 $0xFF00, s31;
	s23 =	sand.u32 $0x70, s30  }
0xe8: {  	s23 =	sor.u32 s23, s24;
	vm11 =	vgt.f32 v11, $5.000000000e-01;
	v9 =	vadd.f32 v10, v9  }
0xe9: {  	v59 =	vld [tilespmem:s23+$0x14480];
	v10 =	vsel vm11, $0x417F1402, v5;
	v11 =	vsel vm11, $0xC17F1402, v6  }
0xea: {  	s25 =	sadd.s32 $0x80, s22;
	s24 =	sadd.s32 $0xFFFFFFE0, s20;
	v9 =	vadd.f32 v10, v9;
	v10 =	vmul.f32 v11, v57  }
0xeb: {  	s23 =	sand.u32 $0x70, s24;
	s24 =	sand.u32 $0xFF00, s25;
	v11 =	vld [tilespmem:s21+$0x10]  }
0xec: {  	vm12 =	vgt.f32 v58, $5.000000000e-01;
	s23 =	sor.u32 s23, s24;
	v9 =	vadd.f32 v10, v9  }
0xed: {  	v60 =	vld [tilespmem:s23+$0x14480];
	v12 =	vsel vm12, $0xC17F1402, v6;
	v10 =	vsel vm12, $0x417F1402, v5  }
0xee: {  	s26 =	sadd.s32 $0xFFFFFFF0, s20;
	s28 =	sadd.s32 $0xA0, s22;
	v9 =	vadd.f32 v10, v9;
	v10 =	vmul.f32 v12, v59  }
0xef: {  	v61 =	vld [tilespmem:s21+$0x20];
	s24 =	sand.u32 $0xFF00, s28;
	s23 =	sand.u32 $0x70, s26  }
0xf0: {  	s23 =	sor.u32 s23, s24;
	vm13 =	vgt.f32 v11, $5.000000000e-01;
	v9 =	vadd.f32 v10, v9  }
0xf1: {  	v62 =	vld [tilespmem:s23+$0x14480];
	v10 =	vsel vm13, $0x417F1402, v5;
	v11 =	vsel vm13, $0xC17F1402, v6  }
0xf2: {  	s29 =	sadd.s32 $0xC0, s22;
	v9 =	vadd.f32 v10, v9;
	v10 =	vmul.f32 v11, v60  }
0xf3: {  	s31 =	sand.u32 $0xFF00, s29;
	s30 =	sand.u32 $0x70, s20;
	v11 =	vld [tilespmem:s21+$0x30]  }
0xf4: {  	vm14 =	vgt.f32 v61, $5.000000000e-01;
	s20 =	sor.u32 s30, s31;
	v9 =	vadd.f32 v10, v9  }
0xf5: {  	v63 =	vld [tilespmem:s20+$0x14480];
	v12 =	vsel vm14, $0xC17F1402, v6;
	v10 =	vsel vm14, $0x417F1402, v5  }
0xf6: {  	v9 =	vadd.f32 v10, v9;
	v10 =	vmul.f32 v12, v62;
	_ =	sdelay $0x1  }
0xf7: {  	s19 =	sadd.s32 $0x1, s19;
	vm15 =	vgt.f32 v11, $5.000000000e-01;
	v9 =	vadd.f32 v10, v9  }
0xf8: {  	p0 =	sne.s32 s19, $0x10;
	v10 =	vsel vm15, $0x417F1402, v5;
	v11 =	vsel vm15, $0xC17F1402, v6  }
.Ltmp7:
0xf9: {  	v9 =	vadd.f32 v10, v9;
	v10 =	vmul.f32 v11, v63;
	(pc) =	sbr.rel @p0 .LBB2_14-.Ltmp7, $3  }
0xfa: {  	_ = 	snop  }
0xfb: {  	v9 =	vadd.f32 v10, v9;
	_ =	sdelay $0x1  }
0xfc: {  	s16 =	sadd.s32 $0x310, s16;
	s17 =	sadd.s32 $0x620, s17;
	s18 =	sadd.s32 $0x311, s18;
	v7 =	vadd.f32 v9, v7  }
0xfd: {  	s16 =	simm.s32 $0x14480  }
0xfe: {  	s17 =	simm.s32 $0x40;
	s19 =	sadd.s32 $0x0, s6;
	s18 =	simm.s32 $0x14580  }
.LBB2_18:
0xff: {  	[tilespmem:s16], [sflag:$0x1] =	stream.linear.gather [hbm4b:s19+s2], $0x80, $0x38;
	[tilespmem:$0x1A700] =	vst v63  }
0x100: {  	s19 =	smov.u32 s17;
	s16 =	smov.u32 s18;
	p0 =	sne.s32 s17, $0x1840  }
.Ltmp8:
0x101: {  	s17 =	sadd.s32 $0x40, s17;
	(pc) =	sbr.rel @p0 .LBB2_18-.Ltmp8, $2  }
0x102: {  	_ =	sdelay $0x2  }
0x103: {  	s18 =	sadd.s32 $0x100, s18;
	s19 =	sadd.s32 s19, s6  }
0x104: {  	[tilespmem:s16], [sflag:$0x1] =	stream.linear.gather [hbm4b:s19+s2], $0x80, $0x38;
	[tilespmem:$0x1A700] =	vst v63  }
0x105: {  	_ =	swait.ge [sflag:s13], $0x3100  }
0x106: {  	s16 =	simm.s32 $0x60;
	s17 =	simm.s32 $0x0;
	[sflag:s13] =	ssyncset.done $0x0  }
0x107: {  	s18 =	simm.s32 $0xB170;
	s19 =	simm.s32 $0x0;
	[sflag:s13] =	ssyncadd.s32 $0xFFFFCF00  }
.LBB2_20:
0x108: {  	s21 =	sadd.s32 $0xFFFFFFA0, s16;
	s20 =	sadd.s32 $0x0, s17  }
0x109: {  	v8 =	vld [tilespmem:s18+$0xFFFFFFA0];
	s21 =	sand.u32 $0x70, s21;
	s22 =	sand.u32 $0xFF00, s20  }
0x10a: {  	s21 =	sor.u32 s21, s22  }
0x10b: {  	v9 =	vld [tilespmem:s21+$0x14500]  }
0x10c: {  	s28 =	sadd.s32 $0xFFFFFFB0, s16;
	s29 =	sadd.s32 $0x20, s20  }
0x10d: {  	v10 =	vld [tilespmem:s18+$0xFFFFFFB0];
	s22 =	sand.u32 $0xFF00, s29;
	s21 =	sand.u32 $0x70, s28  }
0x10e: {  	s21 =	sor.u32 s21, s22;
	vm0 =	vgt.f32 v8, $5.000000000e-01  }
0x10f: {  	v8 =	vimm.f32 $0.0e+00;
	v13 =	vld [tilespmem:s21+$0x14500];
	v11 =	vsel vm0, $0x417F1402, v5;
	v12 =	vsel vm0, $0xC17F1402, v6  }
0x110: {  	s30 =	sadd.s32 $0xFFFFFFC0, s16;
	s31 =	sadd.s32 $0x40, s20;
	v8 =	vadd.f32 v11, v8;
	v9 =	vmul.f32 v12, v9  }
0x111: {  	s22 =	sand.u32 $0xFF00, s31;
	s21 =	sand.u32 $0x70, s30;
	v11 =	vld [tilespmem:s18+$0xFFFFFFC0]  }
0x112: {  	vm11 =	vgt.f32 v10, $5.000000000e-01;
	s21 =	sor.u32 s21, s22;
	v8 =	vadd.f32 v9, v8  }
0x113: {  	v10 =	vsel vm11, $0xC17F1402, v6;
	v59 =	vld [tilespmem:s21+$0x14500];
	v9 =	vsel vm11, $0x417F1402, v5  }
0x114: {  	s23 =	sadd.s32 $0xFFFFFFD0, s16;
	s24 =	sadd.s32 $0x60, s20;
	v8 =	vadd.f32 v9, v8;
	v9 =	vmul.f32 v10, v13  }
0x115: {  	s22 =	sand.u32 $0xFF00, s24;
	s21 =	sand.u32 $0x70, s23;
	v10 =	vld [tilespmem:s18+$0xFFFFFFD0]  }
0x116: {  	s21 =	sor.u32 s21, s22;
	vm12 =	vgt.f32 v11, $5.000000000e-01;
	v8 =	vadd.f32 v9, v8  }
0x117: {  	v60 =	vld [tilespmem:s21+$0x14500];
	v11 =	vsel vm12, $0xC17F1402, v6;
	v9 =	vsel vm12, $0x417F1402, v5  }
0x118: {  	s25 =	sadd.s32 $0xFFFFFFE0, s16;
	s26 =	sadd.s32 $0x80, s20;
	v8 =	vadd.f32 v9, v8;
	v9 =	vmul.f32 v11, v59  }
0x119: {  	s22 =	sand.u32 $0xFF00, s26;
	s21 =	sand.u32 $0x70, s25;
	v11 =	vld [tilespmem:s18+$0xFFFFFFE0]  }
0x11a: {  	s21 =	sor.u32 s21, s22;
	vm13 =	vgt.f32 v10, $5.000000000e-01;
	v8 =	vadd.f32 v9, v8  }
0x11b: {  	v61 =	vld [tilespmem:s21+$0x14500];
	v9 =	vsel vm13, $0x417F1402, v5;
	v10 =	vsel vm13, $0xC17F1402, v6  }
0x11c: {  	v8 =	vadd.f32 v9, v8;
	v9 =	vmul.f32 v10, v60  }
0x11d: {  	s29 =	sadd.s32 $0xA0, s20;
	s28 =	sadd.s32 $0xFFFFFFF0, s16  }
0x11e: {  	s22 =	sand.u32 $0xFF00, s29;
	s21 =	sand.u32 $0x70, s28;
	v10 =	vld [tilespmem:s18+$0xFFFFFFF0];
	vm14 =	vgt.f32 v11, $5.000000000e-01;
	v8 =	vadd.f32 v9, v8  }
0x11f: {  	s21 =	sor.u32 s21, s22;
	v9 =	vsel vm14, $0x417F1402, v5;
	v11 =	vsel vm14, $0xC17F1402, v6  }
0x120: {  	s20 =	sadd.s32 $0xC0, s20;
	v62 =	vld [tilespmem:s21+$0x14500];
	v8 =	vadd.f32 v9, v8;
	v9 =	vmul.f32 v11, v61  }
0x121: {  	s20 =	sand.u32 $0xFF00, s20;
	s30 =	sand.u32 $0x70, s16  }
0x122: {  	s31 =	sor.u32 s30, s20;
	s20 =	sadd.s32 $0x70, s16;
	v11 =	vadd.f32 v9, v8;
	v8 =	vld [tilespmem:s18+$0x0]  }
0x123: {  	s24 =	sadd.s32 $0xFFFFFFA0, s20;
	vm15 =	vgt.f32 v10, $5.000000000e-01  }
0x124: {  	v10 =	vsel vm15, $0x417F1402, v5;
	v63 =	vsel vm15, $0xC17F1402, v6;
	v9 =	vld [tilespmem:s31+$0x14500]  }
0x125: {  	s23 =	simm.s32 $0x1C0;
	s22 =	sadd.s32 $0xE0, s17;
	s21 =	sadd.s32 $0x70, s18;
	v10 =	vadd.f32 v10, v11;
	v11 =	vmul.f32 v63, v62  }
.LBB2_21:
0x126: {  	p0 =	sne.s32 s23, $0x540;
	v12 =	vld [tilespmem:s21+$0xFFFFFFA0];
	s24 =	sand.u32 $0x70, s24;
	s25 =	sand.u32 $0xFF00, s22  }
0x127: {  	s24 =	sor.u32 s24, s25;
	v10 =	vadd.f32 v11, v10;
	vm0 =	vgt.f32 v8, $5.000000000e-01  }
0x128: {  	v8 =	vld [tilespmem:s24+$0x14500];
	v11 =	vsel vm0, $0x417F1402, v5;
	v13 =	vsel vm0, $0xC17F1402, v6  }
0x129: {  	s25 =	sadd.s32 $0x20, s22;
	s24 =	sadd.s32 $0xFFFFFFB0, s20;
	v10 =	vadd.f32 v11, v10;
	v9 =	vmul.f32 v13, v9  }
0x12a: {  	s25 =	sand.u32 $0xFF00, s25;
	s24 =	sand.u32 $0x70, s24;
	v11 =	vld [tilespmem:s21+$0xFFFFFFB0]  }
0x12b: {  	s24 =	sor.u32 s24, s25;
	vm0 =	vgt.f32 v12, $5.000000000e-01;
	v9 =	vadd.f32 v9, v10  }
0x12c: {  	v10 =	vsel vm0, $0x417F1402, v5;
	v12 =	vsel vm0, $0xC17F1402, v6;
	v13 =	vld [tilespmem:s24+$0x14500]  }
0x12d: {  	s25 =	sadd.s32 $0x40, s22;
	s24 =	sadd.s32 $0xFFFFFFC0, s20;
	v9 =	vadd.f32 v10, v9;
	v8 =	vmul.f32 v12, v8  }
0x12e: {  	s25 =	sand.u32 $0xFF00, s25;
	s24 =	sand.u32 $0x70, s24;
	v10 =	vld [tilespmem:s21+$0xFFFFFFC0]  }
0x12f: {  	s24 =	sor.u32 s24, s25;
	v8 =	vadd.f32 v8, v9;
	vm0 =	vgt.f32 v11, $5.000000000e-01  }
0x130: {  	v9 =	vsel vm0, $0x417F1402, v5;
	v11 =	vsel vm0, $0xC17F1402, v6;
	v12 =	vld [tilespmem:s24+$0x14500]  }
0x131: {  	s25 =	sadd.s32 $0x60, s22;
	s24 =	sadd.s32 $0xFFFFFFD0, s20;
	v8 =	vadd.f32 v9, v8;
	v9 =	vmul.f32 v11, v13  }
0x132: {  	s25 =	sand.u32 $0xFF00, s25;
	s24 =	sand.u32 $0x70, s24;
	v11 =	vld [tilespmem:s21+$0xFFFFFFD0]  }
0x133: {  	s24 =	sor.u32 s24, s25;
	v8 =	vadd.f32 v9, v8;
	vm0 =	vgt.f32 v10, $5.000000000e-01  }
0x134: {  	v9 =	vsel vm0, $0x417F1402, v5;
	v10 =	vsel vm0, $0xC17F1402, v6;
	v13 =	vld [tilespmem:s24+$0x14500]  }
0x135: {  	s25 =	sadd.s32 $0x80, s22;
	s24 =	sadd.s32 $0xFFFFFFE0, s20;
	v8 =	vadd.f32 v9, v8;
	v9 =	vmul.f32 v10, v12  }
0x136: {  	s25 =	sand.u32 $0xFF00, s25;
	s24 =	sand.u32 $0x70, s24;
	v10 =	vld [tilespmem:s21+$0xFFFFFFE0]  }
0x137: {  	s24 =	sor.u32 s24, s25;
	v8 =	vadd.f32 v9, v8;
	vm0 =	vgt.f32 v11, $5.000000000e-01  }
0x138: {  	v9 =	vsel vm0, $0x417F1402, v5;
	v11 =	vsel vm0, $0xC17F1402, v6;
	v12 =	vld [tilespmem:s24+$0x14500]  }
0x139: {  	s25 =	sadd.s32 $0xA0, s22;
	s24 =	sadd.s32 $0xFFFFFFF0, s20;
	v8 =	vadd.f32 v9, v8;
	v9 =	vmul.f32 v11, v13  }
0x13a: {  	s25 =	sand.u32 $0xFF00, s25;
	s24 =	sand.u32 $0x70, s24;
	v11 =	vld [tilespmem:s21+$0xFFFFFFF0]  }
0x13b: {  	s24 =	sor.u32 s24, s25;
	v8 =	vadd.f32 v9, v8;
	vm0 =	vgt.f32 v10, $5.000000000e-01  }
0x13c: {  	v9 =	vsel vm0, $0x417F1402, v5;
	v10 =	vsel vm0, $0xC17F1402, v6;
	v13 =	vld [tilespmem:s24+$0x14500]  }
.Ltmp9:
0x13d: {  	s22 =	sadd.s32 $0xC0, s22;
	v9 =	vadd.f32 v9, v8;
	v10 =	vmul.f32 v10, v12;
	(pc) =	sbr.rel @p0 .LBB2_21-.Ltmp9, $4  }
0x13e: {  	s22 =	sand.u32 $0xFF00, s22;
	s24 =	sand.u32 $0x70, s20;
	v8 =	vld [tilespmem:s21+$0x0]  }
0x13f: {  	s20 =	sadd.s32 $0x70, s20;
	s22 =	sor.u32 s24, s22;
	s21 =	sadd.s32 $0x70, s21;
	v10 =	vadd.f32 v10, v9;
	vm0 =	vgt.f32 v11, $5.000000000e-01  }
0x140: {  	v11 =	vsel vm0, $0x417F1402, v5;
	v12 =	vsel vm0, $0xC17F1402, v6;
	v9 =	vld [tilespmem:s22+$0x14500]  }
0x141: {  	s24 =	sadd.s32 $0xFFFFFFA0, s20;
	s22 =	sadd.s32 s23, s17;
	s23 =	sadd.s32 $0xE0, s23;
	v10 =	vadd.f32 v11, v10;
	v11 =	vmul.f32 v12, v13  }
0x142: {  	v12 =	vld [tilespmem:s21+$0xFFFFFFA0];
	s23 =	sand.u32 $0x70, s24;
	s31 =	sand.u32 $0xFF00, s22  }
0x143: {  	s23 =	sor.u32 s23, s31;
	v10 =	vadd.f32 v11, v10;
	vm0 =	vgt.f32 v8, $5.000000000e-01  }
0x144: {  	v8 =	vld [tilespmem:s23+$0x14500];
	v38 =	vsel vm0, $0x417F1402, v5;
	v13 =	vsel vm0, $0xC17F1402, v6  }
0x145: {  	s25 =	sadd.s32 $0xFFFFFFB0, s20;
	s26 =	sadd.s32 $0x20, s22;
	v10 =	vadd.f32 v38, v10;
	v9 =	vmul.f32 v13, v9  }
0x146: {  	v39 =	vld [tilespmem:s21+$0xFFFFFFB0];
	s24 =	sand.u32 $0xFF00, s26;
	s23 =	sand.u32 $0x70, s25  }
0x147: {  	s23 =	sor.u32 s23, s24;
	vm9 =	vgt.f32 v12, $5.000000000e-01;
	v9 =	vadd.f32 v9, v10  }
0x148: {  	v41 =	vld [tilespmem:s23+$0x14500];
	v40 =	vsel vm9, $0x417F1402, v5;
	v12 =	vsel vm9, $0xC17F1402, v6  }
0x149: {  	s28 =	sadd.s32 $0xFFFFFFC0, s20;
	s29 =	sadd.s32 $0x40, s22;
	v9 =	vadd.f32 v40, v9;
	v8 =	vmul.f32 v12, v8  }
0x14a: {  	v42 =	vld [tilespmem:s21+$0xFFFFFFC0];
	s24 =	sand.u32 $0xFF00, s29;
	s23 =	sand.u32 $0x70, s28  }
0x14b: {  	vm10 =	vgt.f32 v39, $5.000000000e-01;
	s23 =	sor.u32 s23, s24;
	v8 =	vadd.f32 v8, v9  }
0x14c: {  	v43 =	vsel vm10, $0x417F1402, v5;
	v11 =	vsel vm10, $0xC17F1402, v6;
	v44 =	vld [tilespmem:s23+$0x14500]  }
0x14d: {  	s30 =	sadd.s32 $0xFFFFFFD0, s20;
	s31 =	sadd.s32 $0x60, s22;
	v45 =	vmul.f32 v11, v41;
	v8 =	vadd.f32 v43, v8  }
0x14e: {  	v46 =	vld [tilespmem:s21+$0xFFFFFFD0];
	s24 =	sand.u32 $0xFF00, s31;
	s23 =	sand.u32 $0x70, s30  }
0x14f: {  	vm11 =	vgt.f32 v42, $5.000000000e-01;
	s23 =	sor.u32 s23, s24;
	v8 =	vadd.f32 v45, v8  }
0x150: {  	v47 =	vsel vm11, $0x417F1402, v5;
	v10 =	vsel vm11, $0xC17F1402, v6;
	v48 =	vld [tilespmem:s23+$0x14500]  }
0x151: {  	s25 =	sadd.s32 $0x80, s22;
	s24 =	sadd.s32 $0xFFFFFFE0, s20;
	v49 =	vmul.f32 v10, v44;
	v8 =	vadd.f32 v47, v8  }
0x152: {  	v50 =	vld [tilespmem:s21+$0xFFFFFFE0];
	s23 =	sand.u32 $0x70, s24;
	s24 =	sand.u32 $0xFF00, s25  }
0x153: {  	vm12 =	vgt.f32 v46, $5.000000000e-01;
	s23 =	sor.u32 s23, s24;
	v8 =	vadd.f32 v49, v8  }
0x154: {  	v51 =	vsel vm12, $0x417F1402, v5;
	v11 =	vsel vm12, $0xC17F1402, v6;
	v52 =	vld [tilespmem:s23+$0x14500]  }
0x155: {  	s26 =	sadd.s32 $0xFFFFFFF0, s20;
	s28 =	sadd.s32 $0xA0, s22;
	v53 =	vmul.f32 v11, v48;
	v8 =	vadd.f32 v51, v8  }
0x156: {  	v54 =	vld [tilespmem:s21+$0xFFFFFFF0];
	s24 =	sand.u32 $0xFF00, s28;
	s23 =	sand.u32 $0x70, s26  }
0x157: {  	vm13 =	vgt.f32 v50, $5.000000000e-01;
	s23 =	sor.u32 s23, s24;
	v8 =	vadd.f32 v53, v8  }
0x158: {  	v55 =	vsel vm13, $0x417F1402, v5;
	v10 =	vsel vm13, $0xC17F1402, v6;
	v56 =	vld [tilespmem:s23+$0x14500]  }
0x159: {  	s29 =	sadd.s32 $0xC0, s22;
	v57 =	vmul.f32 v10, v52;
	v8 =	vadd.f32 v55, v8  }
0x15a: {  	v58 =	vld [tilespmem:s21+$0x0];
	s31 =	sand.u32 $0xFF00, s29;
	s30 =	sand.u32 $0x70, s20  }
0x15b: {  	vm14 =	vgt.f32 v54, $5.000000000e-01;
	s20 =	sor.u32 s30, s31;
	v8 =	vadd.f32 v57, v8  }
0x15c: {  	v59 =	vsel vm14, $0x417F1402, v5;
	v60 =	vld [tilespmem:s20+$0x14500];
	v11 =	vsel vm14, $0xC17F1402, v6  }
0x15d: {  	v61 =	vmul.f32 v11, v56;
	v8 =	vadd.f32 v59, v8;
	_ =	sdelay $0x1  }
0x15e: {  	s19 =	sadd.s32 $0x1, s19;
	vm15 =	vgt.f32 v58, $5.000000000e-01;
	v8 =	vadd.f32 v61, v8  }
0x15f: {  	p0 =	sne.s32 s19, $0x10;
	v62 =	vsel vm15, $0x417F1402, v5;
	v10 =	vsel vm15, $0xC17F1402, v6  }
.Ltmp10:
0x160: {  	v63 =	vmul.f32 v10, v60;
	v8 =	vadd.f32 v62, v8;
	(pc) =	sbr.rel @p0 .LBB2_20-.Ltmp10, $3  }
0x161: {  	_ = 	snop  }
0x162: {  	v8 =	vadd.f32 v63, v8;
	_ =	sdelay $0x1  }
0x163: {  	s16 =	sadd.s32 $0x310, s16;
	s17 =	sadd.s32 $0x620, s17;
	s18 =	sadd.s32 $0x311, s18;
	v7 =	vadd.f32 v8, v7  }
0x164: {  	s16 =	simm.s32 $0x14500  }
0x165: {  	s17 =	simm.s32 $0x40;
	s19 =	sadd.s32 $0x0, s7;
	s18 =	simm.s32 $0x14600  }
.LBB2_24:
0x166: {  	[tilespmem:s16], [sflag:$0x2] =	stream.linear.gather [hbm4b:s19+s2], $0x80, $0x38;
	[tilespmem:$0x1A700] =	vst v63  }
0x167: {  	s19 =	smov.u32 s17;
	s16 =	smov.u32 s18;
	p0 =	sne.s32 s17, $0x1840  }
.Ltmp11:
0x168: {  	s17 =	sadd.s32 $0x40, s17;
	(pc) =	sbr.rel @p0 .LBB2_24-.Ltmp11, $2  }
0x169: {  	_ =	sdelay $0x2  }
0x16a: {  	s18 =	sadd.s32 $0x100, s18;
	s19 =	sadd.s32 s19, s7  }
0x16b: {  	[tilespmem:s16], [sflag:$0x2] =	stream.linear.gather [hbm4b:s19+s2], $0x80, $0x38;
	[tilespmem:$0x1A700] =	vst v63  }
0x16c: {  	_ =	swait.ge [sflag:s12], $0x3100  }
0x16d: {  	s16 =	simm.s32 $0x0;
	s17 =	simm.s32 $0x8000;
	[sflag:s12] =	ssyncset.done $0x0  }
0x16e: {  	s18 =	simm.s32 $0xC0;
	s19 =	simm.s32 $0x60;
	[sflag:s12] =	ssyncadd.s32 $0xFFFFCF00  }
.LBB2_26:
0x16f: {  	v8 =	vmov s17;
	_ =	sdelay $0x3  }
0x170: {  	s21 =	simm.s32 $0x0;
	s20 =	sadd.s32 $0xFFFFFFA0, s19;
	s22 =	sadd.s32 $0xFFFFFF40, s18  }
0x171: {  	s20 =	sand.u32 $0x70, s20;
	s22 =	sand.u32 $0xFF00, s22;
	v9 =	vld.idx.msk [tilespmem:v8+s21+$0x6220 ss:$0x1], $0xffff  }
0x172: {  	s20 =	sor.u32 s20, s22  }
0x173: {  	v10 =	vld [tilespmem:s20+$0x14480]  }
0x174: {  	s30 =	sadd.s32 $0xFFFFFFB0, s19;
	s31 =	sadd.s32 $0xFFFFFF60, s18  }
0x175: {  	s22 =	sand.u32 $0xFF00, s31;
	s20 =	sand.u32 $0x70, s30;
	v11 =	vld.idx.msk [tilespmem:v8+s21+$0x6230 ss:$0x1], $0xffff  }
0x176: {  	s20 =	sor.u32 s20, s22;
	vm0 =	vgt.f32 v9, $5.000000000e-01  }
0x177: {  	v14 =	vld [tilespmem:s20+$0x14480];
	v9 =	vimm.f32 $0.0e+00;
	v12 =	vsel vm0, $0x417F1402, v5;
	v13 =	vsel vm0, $0xC17F1402, v6  }
0x178: {  	s23 =	sadd.s32 $0xFFFFFF80, s18;
	s22 =	sadd.s32 $0xFFFFFFC0, s19;
	v9 =	vadd.f32 v12, v9;
	v10 =	vmul.f32 v13, v10  }
0x179: {  	s20 =	sand.u32 $0x70, s22;
	s22 =	sand.u32 $0xFF00, s23;
	v12 =	vld.idx.msk [tilespmem:v8+s21+$0x6240 ss:$0x1], $0xffff  }
0x17a: {  	s20 =	sor.u32 s20, s22;
	vm11 =	vgt.f32 v11, $5.000000000e-01;
	v9 =	vadd.f32 v10, v9  }
0x17b: {  	v11 =	vsel vm11, $0xC17F1402, v6;
	v13 =	vld [tilespmem:s20+$0x14480];
	v10 =	vsel vm11, $0x417F1402, v5  }
0x17c: {  	s24 =	sadd.s32 $0xFFFFFFD0, s19;
	s25 =	sadd.s32 $0xFFFFFFA0, s18;
	v9 =	vadd.f32 v10, v9;
	v10 =	vmul.f32 v11, v14  }
0x17d: {  	s22 =	sand.u32 $0xFF00, s25;
	s20 =	sand.u32 $0x70, s24;
	v11 =	vld.idx.msk [tilespmem:v8+s21+$0x6250 ss:$0x1], $0xffff  }
0x17e: {  	s20 =	sor.u32 s20, s22;
	vm12 =	vgt.f32 v12, $5.000000000e-01;
	v9 =	vadd.f32 v10, v9  }
0x17f: {  	v14 =	vld [tilespmem:s20+$0x14480];
	v10 =	vsel vm12, $0x417F1402, v5;
	v12 =	vsel vm12, $0xC17F1402, v6  }
0x180: {  	s26 =	sadd.s32 $0xFFFFFFE0, s19;
	s28 =	sadd.s32 $0xFFFFFFC0, s18;
	v9 =	vadd.f32 v10, v9;
	v10 =	vmul.f32 v12, v13  }
0x181: {  	s22 =	sand.u32 $0xFF00, s28;
	s20 =	sand.u32 $0x70, s26;
	v12 =	vld.idx.msk [tilespmem:v8+s21+$0x6260 ss:$0x1], $0xffff  }
0x182: {  	s20 =	sor.u32 s20, s22;
	vm13 =	vgt.f32 v11, $5.000000000e-01;
	v9 =	vadd.f32 v10, v9  }
0x183: {  	v13 =	vld [tilespmem:s20+$0x14480];
	v10 =	vsel vm13, $0x417F1402, v5;
	v11 =	vsel vm13, $0xC17F1402, v6  }
0x184: {  	s29 =	sadd.s32 $0xFFFFFFF0, s19;
	s30 =	sadd.s32 $0xFFFFFFE0, s18;
	v9 =	vadd.f32 v10, v9;
	v10 =	vmul.f32 v11, v14  }
0x185: {  	s22 =	sand.u32 $0xFF00, s30;
	s20 =	sand.u32 $0x70, s29;
	v11 =	vld.idx.msk [tilespmem:v8+s21+$0x6270 ss:$0x1], $0xffff  }
0x186: {  	s20 =	sor.u32 s20, s22;
	vm14 =	vgt.f32 v12, $5.000000000e-01;
	v9 =	vadd.f32 v10, v9  }
0x187: {  	v12 =	vsel vm14, $0x417F1402, v5;
	v14 =	vsel vm14, $0xC17F1402, v6;
	v10 =	vld [tilespmem:s20+$0x14480]  }
0x188: {  	v13 =	vmul.f32 v14, v13;
	v12 =	vadd.f32 v12, v9  }
0x189: {  	s31 =	sand.u32 $0x70, s19;
	s23 =	sand.u32 $0xFF00, s18;
	v9 =	vld.idx.msk [tilespmem:v8+s21+$0x6280 ss:$0x1], $0xffff  }
0x18a: {  	s24 =	sor.u32 s31, s23;
	s23 =	simm.s32 $0x380;
	s20 =	sadd.s32 $0xE0, s18;
	vm15 =	vgt.f32 v11, $5.000000000e-01;
	v12 =	vadd.f32 v13, v12  }
0x18b: {  	s22 =	simm.s32 $0x70;
	s21 =	sadd.s32 $0x70, s19;
	v11 =	vld [tilespmem:s24+$0x14480];
	v13 =	vsel vm15, $0x417F1402, v5;
	v14 =	vsel vm15, $0xC17F1402, v6  }
.LBB2_27:
0x18c: {  	p0 =	sne.s32 s23, $0xA80;
	v15 =	vld.idx.msk [tilespmem:v8+s22+$0x6220 ss:$0x1], $0xffff;
	s24 =	sadd.s32 $0xFFFFFFA0, s21;
	s25 =	sadd.s32 $0xFFFFFF40, s20;
	v12 =	vadd.f32 v13, v12;
	v10 =	vmul.f32 v14, v10  }
0x18d: {  	s24 =	sand.u32 $0x70, s24;
	s25 =	sand.u32 $0xFF00, s25  }
0x18e: {  	vm0 =	vgt.f32 v9, $5.000000000e-01;
	s24 =	sor.u32 s24, s25;
	v10 =	vadd.f32 v10, v12  }
0x18f: {  	v12 =	vsel vm0, $0x417F1402, v5;
	v13 =	vsel vm0, $0xC17F1402, v6;
	v9 =	vld [tilespmem:s24+$0x14480]  }
0x190: {  	s25 =	sadd.s32 $0xFFFFFF60, s20;
	s24 =	sadd.s32 $0xFFFFFFB0, s21;
	v14 =	vld.idx.msk [tilespmem:v8+s22+$0x6230 ss:$0x1], $0xffff;
	v10 =	vadd.f32 v12, v10;
	v11 =	vmul.f32 v13, v11  }
0x191: {  	s25 =	sand.u32 $0xFF00, s25;
	s24 =	sand.u32 $0x70, s24  }
0x192: {  	vm0 =	vgt.f32 v15, $5.000000000e-01;
	s24 =	sor.u32 s24, s25;
	v10 =	vadd.f32 v11, v10  }
0x193: {  	v11 =	vsel vm0, $0x417F1402, v5;
	v12 =	vsel vm0, $0xC17F1402, v6;
	v13 =	vld [tilespmem:s24+$0x14480]  }
0x194: {  	s25 =	sadd.s32 $0xFFFFFF80, s20;
	s24 =	sadd.s32 $0xFFFFFFC0, s21;
	v10 =	vadd.f32 v11, v10;
	v9 =	vmul.f32 v12, v9;
	v11 =	vld.idx.msk [tilespmem:v8+s22+$0x6240 ss:$0x1], $0xffff  }
0x195: {  	s25 =	sand.u32 $0xFF00, s25;
	s24 =	sand.u32 $0x70, s24  }
0x196: {  	vm0 =	vgt.f32 v14, $5.000000000e-01;
	s24 =	sor.u32 s24, s25;
	v9 =	vadd.f32 v9, v10  }
0x197: {  	v10 =	vsel vm0, $0x417F1402, v5;
	v12 =	vsel vm0, $0xC17F1402, v6;
	v14 =	vld [tilespmem:s24+$0x14480]  }
0x198: {  	s25 =	sadd.s32 $0xFFFFFFA0, s20;
	s24 =	sadd.s32 $0xFFFFFFD0, s21;
	v9 =	vadd.f32 v10, v9;
	v10 =	vmul.f32 v12, v13;
	v12 =	vld.idx.msk [tilespmem:v8+s22+$0x6250 ss:$0x1], $0xffff  }
0x199: {  	s25 =	sand.u32 $0xFF00, s25;
	s24 =	sand.u32 $0x70, s24  }
0x19a: {  	vm0 =	vgt.f32 v11, $5.000000000e-01;
	s24 =	sor.u32 s24, s25;
	v9 =	vadd.f32 v10, v9  }
0x19b: {  	v10 =	vsel vm0, $0x417F1402, v5;
	v11 =	vsel vm0, $0xC17F1402, v6;
	v13 =	vld [tilespmem:s24+$0x14480]  }
0x19c: {  	s25 =	sadd.s32 $0xFFFFFFC0, s20;
	s24 =	sadd.s32 $0xFFFFFFE0, s21;
	v9 =	vadd.f32 v10, v9;
	v10 =	vmul.f32 v11, v14;
	v11 =	vld.idx.msk [tilespmem:v8+s22+$0x6260 ss:$0x1], $0xffff  }
0x19d: {  	s25 =	sand.u32 $0xFF00, s25;
	s24 =	sand.u32 $0x70, s24  }
0x19e: {  	vm0 =	vgt.f32 v12, $5.000000000e-01;
	s24 =	sor.u32 s24, s25;
	v9 =	vadd.f32 v10, v9  }
0x19f: {  	v10 =	vsel vm0, $0x417F1402, v5;
	v12 =	vsel vm0, $0xC17F1402, v6;
	v14 =	vld [tilespmem:s24+$0x14480]  }
0x1a0: {  	s25 =	sadd.s32 $0xFFFFFFE0, s20;
	s24 =	sadd.s32 $0xFFFFFFF0, s21;
	v9 =	vadd.f32 v10, v9;
	v10 =	vmul.f32 v12, v13;
	v13 =	vld.idx.msk [tilespmem:v8+s22+$0x6270 ss:$0x1], $0xffff  }
0x1a1: {  	s25 =	sand.u32 $0xFF00, s25;
	s24 =	sand.u32 $0x70, s24;
	vm0 =	vgt.f32 v11, $5.000000000e-01  }
0x1a2: {  	s24 =	sor.u32 s24, s25;
	v9 =	vadd.f32 v10, v9;
	v11 =	vsel vm0, $0x417F1402, v5  }
.Ltmp12:
0x1a3: {  	v12 =	vsel vm0, $0xC17F1402, v6;
	v10 =	vld [tilespmem:s24+$0x14480];
	(pc) =	sbr.rel @p0 .LBB2_27-.Ltmp12, $4  }
0x1a4: {  	s24 =	sand.u32 $0xFF00, s20;
	v11 =	vadd.f32 v11, v9;
	v12 =	vmul.f32 v12, v14;
	v9 =	vld.idx.msk [tilespmem:v8+s22+$0x6280 ss:$0x1], $0xffff  }
0x1a5: {  	s20 =	sadd.s32 $0xE0, s20;
	s22 =	sand.u32 $0x70, s21;
	s21 =	sadd.s32 $0x70, s21  }
0x1a6: {  	vm0 =	vgt.f32 v13, $5.000000000e-01;
	s24 =	sor.u32 s22, s24;
	s22 =	sshra.s32 s23, $0x2;
	s23 =	sadd.s32 $0x1C0, s23;
	v12 =	vadd.f32 v12, v11  }
0x1a7: {  	v13 =	vsel vm0, $0x417F1402, v5;
	v14 =	vsel vm0, $0xC17F1402, v6;
	v11 =	vld [tilespmem:s24+$0x14480]  }
0x1a8: {  	_ =	sdelay $0x2  }
0x1a9: {  	s23 =	sadd.s32 $0xFFFFFFA0, s21;
	s24 =	sadd.s32 $0xFFFFFF40, s20;
	v12 =	vadd.f32 v13, v12;
	v10 =	vmul.f32 v14, v10  }
0x1aa: {  	v35 =	vld.idx.msk [tilespmem:v8+s22+$0x6220 ss:$0x1], $0xffff;
	s23 =	sand.u32 $0x70, s23;
	s24 =	sand.u32 $0xFF00, s24  }
0x1ab: {  	vm0 =	vgt.f32 v9, $5.000000000e-01;
	s23 =	sor.u32 s23, s24;
	v10 =	vadd.f32 v10, v12  }
0x1ac: {  	v37 =	vsel vm0, $0x417F1402, v5;
	v38 =	vsel vm0, $0xC17F1402, v6;
	v36 =	vld [tilespmem:s23+$0x14480]  }
0x1ad: {  	s25 =	sadd.s32 $0xFFFFFFB0, s21;
	s26 =	sadd.s32 $0xFFFFFF60, s20;
	v10 =	vadd.f32 v37, v10;
	v11 =	vmul.f32 v38, v11  }
0x1ae: {  	v39 =	vld.idx.msk [tilespmem:v8+s22+$0x6230 ss:$0x1], $0xffff;
	s24 =	sand.u32 $0xFF00, s26;
	s23 =	sand.u32 $0x70, s25  }
0x1af: {  	s23 =	sor.u32 s23, s24;
	vm9 =	vgt.f32 v35, $5.000000000e-01;
	v10 =	vadd.f32 v11, v10  }
0x1b0: {  	v41 =	vld [tilespmem:s23+$0x14480];
	v40 =	vsel vm9, $0x417F1402, v5;
	v13 =	vsel vm9, $0xC17F1402, v6  }
0x1b1: {  	s28 =	sadd.s32 $0xFFFFFFC0, s21;
	s29 =	sadd.s32 $0xFFFFFF80, s20;
	v10 =	vadd.f32 v40, v10;
	v9 =	vmul.f32 v13, v36  }
0x1b2: {  	v42 =	vld.idx.msk [tilespmem:v8+s22+$0x6240 ss:$0x1], $0xffff;
	s24 =	sand.u32 $0xFF00, s29;
	s23 =	sand.u32 $0x70, s28  }
0x1b3: {  	vm10 =	vgt.f32 v39, $5.000000000e-01;
	s23 =	sor.u32 s23, s24;
	v9 =	vadd.f32 v9, v10  }
0x1b4: {  	v43 =	vsel vm10, $0x417F1402, v5;
	v12 =	vsel vm10, $0xC17F1402, v6;
	v44 =	vld [tilespmem:s23+$0x14480]  }
0x1b5: {  	s30 =	sadd.s32 $0xFFFFFFD0, s21;
	s31 =	sadd.s32 $0xFFFFFFA0, s20;
	v45 =	vmul.f32 v12, v41;
	v9 =	vadd.f32 v43, v9  }
0x1b6: {  	v46 =	vld.idx.msk [tilespmem:v8+s22+$0x6250 ss:$0x1], $0xffff;
	s24 =	sand.u32 $0xFF00, s31;
	s23 =	sand.u32 $0x70, s30  }
0x1b7: {  	vm11 =	vgt.f32 v42, $5.000000000e-01;
	s23 =	sor.u32 s23, s24;
	v9 =	vadd.f32 v45, v9  }
0x1b8: {  	v47 =	vsel vm11, $0x417F1402, v5;
	v11 =	vsel vm11, $0xC17F1402, v6;
	v48 =	vld [tilespmem:s23+$0x14480]  }
0x1b9: {  	s26 =	sadd.s32 $0xFFFFFFC0, s20;
	s25 =	sadd.s32 $0xFFFFFFE0, s21;
	v49 =	vmul.f32 v11, v44;
	v9 =	vadd.f32 v47, v9  }
0x1ba: {  	v50 =	vld.idx.msk [tilespmem:v8+s22+$0x6260 ss:$0x1], $0xffff;
	s24 =	sand.u32 $0xFF00, s26;
	s23 =	sand.u32 $0x70, s25  }
0x1bb: {  	vm12 =	vgt.f32 v46, $5.000000000e-01;
	s23 =	sor.u32 s23, s24;
	v9 =	vadd.f32 v49, v9  }
0x1bc: {  	v51 =	vsel vm12, $0x417F1402, v5;
	v12 =	vsel vm12, $0xC17F1402, v6;
	v52 =	vld [tilespmem:s23+$0x14480]  }
0x1bd: {  	s29 =	sadd.s32 $0xFFFFFFE0, s20;
	s28 =	sadd.s32 $0xFFFFFFF0, s21;
	v53 =	vmul.f32 v12, v48;
	v9 =	vadd.f32 v51, v9  }
0x1be: {  	v54 =	vld.idx.msk [tilespmem:v8+s22+$0x6270 ss:$0x1], $0xffff;
	s24 =	sand.u32 $0xFF00, s29;
	s23 =	sand.u32 $0x70, s28  }
0x1bf: {  	vm13 =	vgt.f32 v50, $5.000000000e-01;
	s23 =	sor.u32 s23, s24;
	v9 =	vadd.f32 v53, v9  }
0x1c0: {  	v55 =	vsel vm13, $0x417F1402, v5;
	v11 =	vsel vm13, $0xC17F1402, v6;
	v56 =	vld [tilespmem:s23+$0x14480]  }
0x1c1: {  	v57 =	vmul.f32 v11, v52;
	v9 =	vadd.f32 v55, v9  }
0x1c2: {  	v8 =	vld.idx.msk [tilespmem:v8+s22+$0x6280 ss:$0x1], $0xffff;
	s31 =	sand.u32 $0xFF00, s20;
	s30 =	sand.u32 $0x70, s21  }
0x1c3: {  	vm14 =	vgt.f32 v54, $5.000000000e-01;
	s20 =	sor.u32 s30, s31;
	v9 =	vadd.f32 v57, v9  }
0x1c4: {  	v58 =	vsel vm14, $0x417F1402, v5;
	v59 =	vsel vm14, $0xC17F1402, v6;
	v60 =	vld [tilespmem:s20+$0x14480]  }
0x1c5: {  	v61 =	vmul.f32 v59, v56;
	v9 =	vadd.f32 v58, v9;
	_ =	sdelay $0x1  }
0x1c6: {  	s16 =	sadd.s32 $0x1, s16;
	vm15 =	vgt.f32 v8, $5.000000000e-01;
	v9 =	vadd.f32 v61, v9  }
0x1c7: {  	p0 =	sne.s32 s16, $0x10;
	v8 =	vsel vm15, $0x417F1402, v5;
	v62 =	vsel vm15, $0xC17F1402, v6  }
.Ltmp13:
0x1c8: {  	v63 =	vmul.f32 v62, v60;
	v8 =	vadd.f32 v8, v9;
	(pc) =	sbr.rel @p0 .LBB2_26-.Ltmp13, $3  }
0x1c9: {  	_ = 	snop  }
0x1ca: {  	v8 =	vadd.f32 v63, v8;
	_ =	sdelay $0x1  }
0x1cb: {  	s17 =	sadd.s32 $0x311, s17;
	s18 =	sadd.s32 $0x620, s18;
	s19 =	sadd.s32 $0x310, s19;
	v7 =	vadd.f32 v8, v7  }
0x1cc: {  	_ =	swait.ge [sflag:s13], $0x3100  }
0x1cd: {  	s16 =	simm.s32 $0x0;
	s17 =	simm.s32 $0x8000;
	[sflag:s13] =	ssyncset.done $0x0  }
0x1ce: {  	s18 =	simm.s32 $0xC0;
	s19 =	simm.s32 $0x60;
	[sflag:s13] =	ssyncadd.s32 $0xFFFFCF00  }
.LBB2_30:
0x1cf: {  	v8 =	vmov s17;
	_ =	sdelay $0x3  }
0x1d0: {  	s21 =	simm.s32 $0x0;
	s20 =	sadd.s32 $0xFFFFFFA0, s19;
	s22 =	sadd.s32 $0xFFFFFF40, s18  }
0x1d1: {  	s20 =	sand.u32 $0x70, s20;
	s22 =	sand.u32 $0xFF00, s22;
	v9 =	vld.idx.msk [tilespmem:v8+s21+$0x9330 ss:$0x1], $0xffff  }
0x1d2: {  	s20 =	sor.u32 s20, s22  }
0x1d3: {  	v10 =	vld [tilespmem:s20+$0x14500]  }
0x1d4: {  	s30 =	sadd.s32 $0xFFFFFFB0, s19;
	s31 =	sadd.s32 $0xFFFFFF60, s18  }
0x1d5: {  	s22 =	sand.u32 $0xFF00, s31;
	s20 =	sand.u32 $0x70, s30;
	v11 =	vld.idx.msk [tilespmem:v8+s21+$0x9340 ss:$0x1], $0xffff  }
0x1d6: {  	s20 =	sor.u32 s20, s22;
	vm0 =	vgt.f32 v9, $5.000000000e-01  }
0x1d7: {  	v14 =	vld [tilespmem:s20+$0x14500];
	v9 =	vimm.f32 $0.0e+00;
	v12 =	vsel vm0, $0x417F1402, v5;
	v13 =	vsel vm0, $0xC17F1402, v6  }
0x1d8: {  	s23 =	sadd.s32 $0xFFFFFF80, s18;
	s22 =	sadd.s32 $0xFFFFFFC0, s19;
	v9 =	vadd.f32 v12, v9;
	v10 =	vmul.f32 v13, v10  }
0x1d9: {  	s20 =	sand.u32 $0x70, s22;
	s22 =	sand.u32 $0xFF00, s23;
	v12 =	vld.idx.msk [tilespmem:v8+s21+$0x9350 ss:$0x1], $0xffff  }
0x1da: {  	s20 =	sor.u32 s20, s22;
	vm11 =	vgt.f32 v11, $5.000000000e-01;
	v9 =	vadd.f32 v10, v9  }
0x1db: {  	v11 =	vsel vm11, $0xC17F1402, v6;
	v13 =	vld [tilespmem:s20+$0x14500];
	v10 =	vsel vm11, $0x417F1402, v5  }
0x1dc: {  	s24 =	sadd.s32 $0xFFFFFFD0, s19;
	s25 =	sadd.s32 $0xFFFFFFA0, s18;
	v9 =	vadd.f32 v10, v9;
	v10 =	vmul.f32 v11, v14  }
0x1dd: {  	s22 =	sand.u32 $0xFF00, s25;
	s20 =	sand.u32 $0x70, s24;
	v11 =	vld.idx.msk [tilespmem:v8+s21+$0x9360 ss:$0x1], $0xffff  }
0x1de: {  	s20 =	sor.u32 s20, s22;
	vm12 =	vgt.f32 v12, $5.000000000e-01;
	v9 =	vadd.f32 v10, v9  }
0x1df: {  	v14 =	vld [tilespmem:s20+$0x14500];
	v10 =	vsel vm12, $0x417F1402, v5;
	v12 =	vsel vm12, $0xC17F1402, v6  }
0x1e0: {  	s26 =	sadd.s32 $0xFFFFFFE0, s19;
	s28 =	sadd.s32 $0xFFFFFFC0, s18;
	v9 =	vadd.f32 v10, v9;
	v10 =	vmul.f32 v12, v13  }
0x1e1: {  	s22 =	sand.u32 $0xFF00, s28;
	s20 =	sand.u32 $0x70, s26;
	v12 =	vld.idx.msk [tilespmem:v8+s21+$0x9370 ss:$0x1], $0xffff  }
0x1e2: {  	s20 =	sor.u32 s20, s22;
	vm13 =	vgt.f32 v11, $5.000000000e-01;
	v9 =	vadd.f32 v10, v9  }
0x1e3: {  	v13 =	vld [tilespmem:s20+$0x14500];
	v10 =	vsel vm13, $0x417F1402, v5;
	v11 =	vsel vm13, $0xC17F1402, v6  }
0x1e4: {  	s29 =	sadd.s32 $0xFFFFFFF0, s19;
	s30 =	sadd.s32 $0xFFFFFFE0, s18;
	v9 =	vadd.f32 v10, v9;
	v10 =	vmul.f32 v11, v14  }
0x1e5: {  	s22 =	sand.u32 $0xFF00, s30;
	s20 =	sand.u32 $0x70, s29;
	v11 =	vld.idx.msk [tilespmem:v8+s21+$0x9380 ss:$0x1], $0xffff  }
0x1e6: {  	s20 =	sor.u32 s20, s22;
	vm14 =	vgt.f32 v12, $5.000000000e-01;
	v9 =	vadd.f32 v10, v9  }
0x1e7: {  	v12 =	vsel vm14, $0x417F1402, v5;
	v14 =	vsel vm14, $0xC17F1402, v6;
	v10 =	vld [tilespmem:s20+$0x14500]  }
0x1e8: {  	v13 =	vmul.f32 v14, v13;
	v12 =	vadd.f32 v12, v9  }
0x1e9: {  	s31 =	sand.u32 $0x70, s19;
	s23 =	sand.u32 $0xFF00, s18;
	v9 =	vld.idx.msk [tilespmem:v8+s21+$0x9390 ss:$0x1], $0xffff  }
0x1ea: {  	s24 =	sor.u32 s31, s23;
	s23 =	simm.s32 $0x380;
	s20 =	sadd.s32 $0xE0, s18;
	vm15 =	vgt.f32 v11, $5.000000000e-01;
	v12 =	vadd.f32 v13, v12  }
0x1eb: {  	s22 =	simm.s32 $0x70;
	s21 =	sadd.s32 $0x70, s19;
	v11 =	vld [tilespmem:s24+$0x14500];
	v13 =	vsel vm15, $0x417F1402, v5;
	v14 =	vsel vm15, $0xC17F1402, v6  }
.LBB2_31:
0x1ec: {  	p0 =	sne.s32 s23, $0xA80;
	v15 =	vld.idx.msk [tilespmem:v8+s22+$0x9330 ss:$0x1], $0xffff;
	s24 =	sadd.s32 $0xFFFFFFA0, s21;
	s25 =	sadd.s32 $0xFFFFFF40, s20;
	v12 =	vadd.f32 v13, v12;
	v10 =	vmul.f32 v14, v10  }
0x1ed: {  	s24 =	sand.u32 $0x70, s24;
	s25 =	sand.u32 $0xFF00, s25  }
0x1ee: {  	vm0 =	vgt.f32 v9, $5.000000000e-01;
	s24 =	sor.u32 s24, s25;
	v10 =	vadd.f32 v10, v12  }
0x1ef: {  	v12 =	vsel vm0, $0x417F1402, v5;
	v13 =	vsel vm0, $0xC17F1402, v6;
	v9 =	vld [tilespmem:s24+$0x14500]  }
0x1f0: {  	s25 =	sadd.s32 $0xFFFFFF60, s20;
	s24 =	sadd.s32 $0xFFFFFFB0, s21;
	v14 =	vld.idx.msk [tilespmem:v8+s22+$0x9340 ss:$0x1], $0xffff;
	v10 =	vadd.f32 v12, v10;
	v11 =	vmul.f32 v13, v11  }
0x1f1: {  	s25 =	sand.u32 $0xFF00, s25;
	s24 =	sand.u32 $0x70, s24  }
0x1f2: {  	vm0 =	vgt.f32 v15, $5.000000000e-01;
	s24 =	sor.u32 s24, s25;
	v10 =	vadd.f32 v11, v10  }
0x1f3: {  	v11 =	vsel vm0, $0x417F1402, v5;
	v12 =	vsel vm0, $0xC17F1402, v6;
	v13 =	vld [tilespmem:s24+$0x14500]  }
0x1f4: {  	s25 =	sadd.s32 $0xFFFFFF80, s20;
	s24 =	sadd.s32 $0xFFFFFFC0, s21;
	v10 =	vadd.f32 v11, v10;
	v9 =	vmul.f32 v12, v9;
	v11 =	vld.idx.msk [tilespmem:v8+s22+$0x9350 ss:$0x1], $0xffff  }
0x1f5: {  	s25 =	sand.u32 $0xFF00, s25;
	s24 =	sand.u32 $0x70, s24  }
0x1f6: {  	vm0 =	vgt.f32 v14, $5.000000000e-01;
	s24 =	sor.u32 s24, s25;
	v9 =	vadd.f32 v9, v10  }
0x1f7: {  	v10 =	vsel vm0, $0x417F1402, v5;
	v12 =	vsel vm0, $0xC17F1402, v6;
	v14 =	vld [tilespmem:s24+$0x14500]  }
0x1f8: {  	s25 =	sadd.s32 $0xFFFFFFA0, s20;
	s24 =	sadd.s32 $0xFFFFFFD0, s21;
	v9 =	vadd.f32 v10, v9;
	v10 =	vmul.f32 v12, v13;
	v12 =	vld.idx.msk [tilespmem:v8+s22+$0x9360 ss:$0x1], $0xffff  }
0x1f9: {  	s25 =	sand.u32 $0xFF00, s25;
	s24 =	sand.u32 $0x70, s24  }
0x1fa: {  	vm0 =	vgt.f32 v11, $5.000000000e-01;
	s24 =	sor.u32 s24, s25;
	v9 =	vadd.f32 v10, v9  }
0x1fb: {  	v10 =	vsel vm0, $0x417F1402, v5;
	v11 =	vsel vm0, $0xC17F1402, v6;
	v13 =	vld [tilespmem:s24+$0x14500]  }
0x1fc: {  	s25 =	sadd.s32 $0xFFFFFFC0, s20;
	s24 =	sadd.s32 $0xFFFFFFE0, s21;
	v9 =	vadd.f32 v10, v9;
	v10 =	vmul.f32 v11, v14;
	v11 =	vld.idx.msk [tilespmem:v8+s22+$0x9370 ss:$0x1], $0xffff  }
0x1fd: {  	s25 =	sand.u32 $0xFF00, s25;
	s24 =	sand.u32 $0x70, s24  }
0x1fe: {  	vm0 =	vgt.f32 v12, $5.000000000e-01;
	s24 =	sor.u32 s24, s25;
	v9 =	vadd.f32 v10, v9  }
0x1ff: {  	v10 =	vsel vm0, $0x417F1402, v5;
	v12 =	vsel vm0, $0xC17F1402, v6;
	v14 =	vld [tilespmem:s24+$0x14500]  }
0x200: {  	s25 =	sadd.s32 $0xFFFFFFE0, s20;
	s24 =	sadd.s32 $0xFFFFFFF0, s21;
	v9 =	vadd.f32 v10, v9;
	v10 =	vmul.f32 v12, v13;
	v13 =	vld.idx.msk [tilespmem:v8+s22+$0x9380 ss:$0x1], $0xffff  }
0x201: {  	s25 =	sand.u32 $0xFF00, s25;
	s24 =	sand.u32 $0x70, s24;
	vm0 =	vgt.f32 v11, $5.000000000e-01  }
0x202: {  	s24 =	sor.u32 s24, s25;
	v9 =	vadd.f32 v10, v9;
	v11 =	vsel vm0, $0x417F1402, v5  }
.Ltmp14:
0x203: {  	v12 =	vsel vm0, $0xC17F1402, v6;
	v10 =	vld [tilespmem:s24+$0x14500];
	(pc) =	sbr.rel @p0 .LBB2_31-.Ltmp14, $4  }
0x204: {  	s24 =	sand.u32 $0xFF00, s20;
	v11 =	vadd.f32 v11, v9;
	v12 =	vmul.f32 v12, v14;
	v9 =	vld.idx.msk [tilespmem:v8+s22+$0x9390 ss:$0x1], $0xffff  }
0x205: {  	s20 =	sadd.s32 $0xE0, s20;
	s22 =	sand.u32 $0x70, s21;
	s21 =	sadd.s32 $0x70, s21  }
0x206: {  	vm0 =	vgt.f32 v13, $5.000000000e-01;
	s24 =	sor.u32 s22, s24;
	s22 =	sshra.s32 s23, $0x2;
	s23 =	sadd.s32 $0x1C0, s23;
	v12 =	vadd.f32 v12, v11  }
0x207: {  	v13 =	vsel vm0, $0x417F1402, v5;
	v14 =	vsel vm0, $0xC17F1402, v6;
	v11 =	vld [tilespmem:s24+$0x14500]  }
0x208: {  	_ =	sdelay $0x2  }
0x209: {  	s23 =	sadd.s32 $0xFFFFFFA0, s21;
	s24 =	sadd.s32 $0xFFFFFF40, s20;
	v12 =	vadd.f32 v13, v12;
	v10 =	vmul.f32 v14, v10  }
0x20a: {  	v35 =	vld.idx.msk [tilespmem:v8+s22+$0x9330 ss:$0x1], $0xffff;
	s23 =	sand.u32 $0x70, s23;
	s24 =	sand.u32 $0xFF00, s24  }
0x20b: {  	vm0 =	vgt.f32 v9, $5.000000000e-01;
	s23 =	sor.u32 s23, s24;
	v10 =	vadd.f32 v10, v12  }
0x20c: {  	v37 =	vsel vm0, $0x417F1402, v5;
	v38 =	vsel vm0, $0xC17F1402, v6;
	v36 =	vld [tilespmem:s23+$0x14500]  }
0x20d: {  	s25 =	sadd.s32 $0xFFFFFFB0, s21;
	s26 =	sadd.s32 $0xFFFFFF60, s20;
	v10 =	vadd.f32 v37, v10;
	v11 =	vmul.f32 v38, v11  }
0x20e: {  	v39 =	vld.idx.msk [tilespmem:v8+s22+$0x9340 ss:$0x1], $0xffff;
	s24 =	sand.u32 $0xFF00, s26;
	s23 =	sand.u32 $0x70, s25  }
0x20f: {  	s23 =	sor.u32 s23, s24;
	vm9 =	vgt.f32 v35, $5.000000000e-01;
	v10 =	vadd.f32 v11, v10  }
0x210: {  	v41 =	vld [tilespmem:s23+$0x14500];
	v40 =	vsel vm9, $0x417F1402, v5;
	v13 =	vsel vm9, $0xC17F1402, v6  }
0x211: {  	s28 =	sadd.s32 $0xFFFFFFC0, s21;
	s29 =	sadd.s32 $0xFFFFFF80, s20;
	v10 =	vadd.f32 v40, v10;
	v9 =	vmul.f32 v13, v36  }
0x212: {  	v42 =	vld.idx.msk [tilespmem:v8+s22+$0x9350 ss:$0x1], $0xffff;
	s24 =	sand.u32 $0xFF00, s29;
	s23 =	sand.u32 $0x70, s28  }
0x213: {  	vm10 =	vgt.f32 v39, $5.000000000e-01;
	s23 =	sor.u32 s23, s24;
	v9 =	vadd.f32 v9, v10  }
0x214: {  	v43 =	vsel vm10, $0x417F1402, v5;
	v12 =	vsel vm10, $0xC17F1402, v6;
	v44 =	vld [tilespmem:s23+$0x14500]  }
0x215: {  	s30 =	sadd.s32 $0xFFFFFFD0, s21;
	s31 =	sadd.s32 $0xFFFFFFA0, s20;
	v45 =	vmul.f32 v12, v41;
	v9 =	vadd.f32 v43, v9  }
0x216: {  	v46 =	vld.idx.msk [tilespmem:v8+s22+$0x9360 ss:$0x1], $0xffff;
	s24 =	sand.u32 $0xFF00, s31;
	s23 =	sand.u32 $0x70, s30  }
0x217: {  	vm11 =	vgt.f32 v42, $5.000000000e-01;
	s23 =	sor.u32 s23, s24;
	v9 =	vadd.f32 v45, v9  }
0x218: {  	v47 =	vsel vm11, $0x417F1402, v5;
	v11 =	vsel vm11, $0xC17F1402, v6;
	v48 =	vld [tilespmem:s23+$0x14500]  }
0x219: {  	s26 =	sadd.s32 $0xFFFFFFC0, s20;
	s25 =	sadd.s32 $0xFFFFFFE0, s21;
	v49 =	vmul.f32 v11, v44;
	v9 =	vadd.f32 v47, v9  }
0x21a: {  	v50 =	vld.idx.msk [tilespmem:v8+s22+$0x9370 ss:$0x1], $0xffff;
	s24 =	sand.u32 $0xFF00, s26;
	s23 =	sand.u32 $0x70, s25  }
0x21b: {  	vm12 =	vgt.f32 v46, $5.000000000e-01;
	s23 =	sor.u32 s23, s24;
	v9 =	vadd.f32 v49, v9  }
0x21c: {  	v51 =	vsel vm12, $0x417F1402, v5;
	v12 =	vsel vm12, $0xC17F1402, v6;
	v52 =	vld [tilespmem:s23+$0x14500]  }
0x21d: {  	s29 =	sadd.s32 $0xFFFFFFE0, s20;
	s28 =	sadd.s32 $0xFFFFFFF0, s21;
	v53 =	vmul.f32 v12, v48;
	v9 =	vadd.f32 v51, v9  }
0x21e: {  	v54 =	vld.idx.msk [tilespmem:v8+s22+$0x9380 ss:$0x1], $0xffff;
	s24 =	sand.u32 $0xFF00, s29;
	s23 =	sand.u32 $0x70, s28  }
0x21f: {  	vm13 =	vgt.f32 v50, $5.000000000e-01;
	s23 =	sor.u32 s23, s24;
	v9 =	vadd.f32 v53, v9  }
0x220: {  	v55 =	vsel vm13, $0x417F1402, v5;
	v11 =	vsel vm13, $0xC17F1402, v6;
	v56 =	vld [tilespmem:s23+$0x14500]  }
0x221: {  	v57 =	vmul.f32 v11, v52;
	v9 =	vadd.f32 v55, v9  }
0x222: {  	v8 =	vld.idx.msk [tilespmem:v8+s22+$0x9390 ss:$0x1], $0xffff;
	s31 =	sand.u32 $0xFF00, s20;
	s30 =	sand.u32 $0x70, s21  }
0x223: {  	vm14 =	vgt.f32 v54, $5.000000000e-01;
	s20 =	sor.u32 s30, s31;
	v9 =	vadd.f32 v57, v9  }
0x224: {  	v58 =	vsel vm14, $0x417F1402, v5;
	v59 =	vsel vm14, $0xC17F1402, v6;
	v60 =	vld [tilespmem:s20+$0x14500]  }
0x225: {  	v61 =	vmul.f32 v59, v56;
	v9 =	vadd.f32 v58, v9;
	_ =	sdelay $0x1  }
0x226: {  	s16 =	sadd.s32 $0x1, s16;
	vm15 =	vgt.f32 v8, $5.000000000e-01;
	v9 =	vadd.f32 v61, v9  }
0x227: {  	p0 =	sne.s32 s16, $0x10;
	v8 =	vsel vm15, $0x417F1402, v5;
	v62 =	vsel vm15, $0xC17F1402, v6  }
.Ltmp15:
0x228: {  	v63 =	vmul.f32 v62, v60;
	v8 =	vadd.f32 v8, v9;
	(pc) =	sbr.rel @p0 .LBB2_30-.Ltmp15, $3  }
0x229: {  	_ = 	snop  }
0x22a: {  	v8 =	vadd.f32 v63, v8;
	_ =	sdelay $0x1  }
0x22b: {  	s17 =	sadd.s32 $0x311, s17;
	s18 =	sadd.s32 $0x620, s18;
	s19 =	sadd.s32 $0x310, s19;
	v7 =	vadd.f32 v8, v7  }
0x22c: {  	s15 =	sadd.s32 $0x1, s15  }
0x22d: {  	p0 =	sne.s32 s15, s9  }
.Ltmp16:
0x22e: {  	[tilespmem:$0x1A680] =	vst v7;
	(pc) =	sbr.rel @p0 .LBB2_1-.Ltmp16, $4  }
0x22f: {  	[hbm4b:s8+s2] =	stream.linear.scatter [tilespmem:s14], [sflag:$0x3], $0x80, $0x38;
	[tilespmem:$0x1A700] =	vst v63  }
0x230: {  	_ =	swait.ge [sflag:s10], $0x80  }
0x231: {  	[sflag:s10] =	ssyncset.done $0x0  }
0x232: {  	[sflag:s10] =	ssyncadd.s32 $0xFFFFFF80  }
0x233: {  	_ =	sfence.sel $0x180000  }
0x234: {  	[bflag:$0x0] =	sbarrier.arrive $0xFFFF  }
0x235: {  	p0 =	sne.s32 s0, $0x0;
	_ =	strace $0x90000047  }
0x236: {  	s0 =	sadd.s32 @!p0 $0x100000, s1;
	[bflag:$0x2] =	sbarrier.arrive $0xFFFF  }
0x237: {  	[sflag:s0] =	ssyncadd.tile.s32 @!p0 $0x1;
	_ =	shalt  }
.Lfunc_end2:
_tile_overlayer_lowered:
.L_overlay_start_2:
0x238: {  	(tag) =	ssettag $0x2  }
0x239: {  	s0 =	rddreg [dreg:$0x0];
	s2 =	stileid.u32  }
0x23a: {  	s1 =	rddreg [dreg:$0x1];
	p0 =	sne.s32 s2, $0x0  }
0x23b: {  	s3 =	rddreg [dreg:$0x2];
	[bflag:$0x3] =	sbarrier.arrive $0xFFFF;
	s2 =	simm.s32 @!p0 $0x1C03  }
0x23c: {  	[timem:s3], [sflag:s2] =	dma.local @!p0 [hbm:s0], s1  }
0x23d: {  	s0 =	simm.s32 @!p0 $0x3  }
0x23e: {  	_ =	swait.ge @!p0 [sflag:s0], s1  }
0x23f: {  	s1 =	ssub.s32 @!p0 $0x0, s1;
	[sflag:s0] =	ssyncset.done @!p0 $0x0  }
0x240: {  	[sflag:s0] =	ssyncadd.s32 @!p0 s1  }
0x241: {  	[bflag:$0x3] =	sbarrier.arrive $0xFFFF  }
0x242: {  	_ =	shalt  }

</sc_bundles>
